<compile_context>
chip_gen: v7x
topology: tpu7x:2x2x1
jax: 0.10.2.dev20260603
libtpu: 0.0.44.dev20260713+nightly
codegen_flags: <defaults>
</compile_context>

<pallas_src>
import jax
import jax.numpy as jnp
from jax import lax
from jax.experimental import pallas as pl
from jax.experimental.pallas import tpu as pltpu
from jax.experimental.pallas import tpu_sc as plsc

N = 10000
E = 320000
D = 128
NC, NS = 2, 16
NW = NC * NS
EPW = E // NW
CH = 128
FC = EPW // CH
TAIL = EPW - FC * CH
CHE = 64
FCE = EPW // CHE
NPAD = 10240
RPT = NPAD // NS
DEGW = 16
BN = 400
NB = 4

_MESH = plsc.VectorSubcoreMesh(core_axis_name="c", subcore_axis_name="s")


def _deg_body(src_hbm, deg_out,
              idx0, idx1, idx2, idx3, idx_t, ones_v, zero_v, deg_sh,
              lsem0, lsem1, lsem2, lsem3, ssem0, ssem1, ssem2, ssem3):
    cid = lax.axis_index("c")
    tid = lax.axis_index("s")
    wid = cid * NS + tid
    base = wid * EPW
    idx = (idx0, idx1, idx2, idx3)
    lsem = (lsem0, lsem1, lsem2, lsem3)
    ssem = (ssem0, ssem1, ssem2, ssem3)

    def l_start(c, b):
        pltpu.async_copy(src_hbm.at[pl.ds(base + c * CH, CH)], idx[b], lsem[b])

    def l_wait(b):
        pltpu.make_async_copy(src_hbm.at[pl.ds(base, CH)], idx[b],
                              lsem[b]).wait()

    def s_start(b):
        pltpu.async_copy(ones_v, deg_sh.at[idx[b]], ssem[b], add=True)

    def s_wait(b):
        pltpu.make_async_copy(ones_v, deg_sh.at[idx[b]], ssem[b]).wait()

    l_start(0, 0)

    def fill(i, carry):
        ones_v[i, :] = jnp.ones((DEGW,), jnp.float32)
        zero_v[i, :] = jnp.zeros((DEGW,), jnp.float32)
        return carry

    lax.fori_loop(0, CH, fill, 0)

    r0 = tid * RPT

    def zero(i, carry):
        pltpu.sync_copy(zero_v, deg_sh.at[pl.ds(r0 + i * CH, CH)])
        return carry

    lax.fori_loop(0, RPT // CH, zero, 0)
    plsc.subcore_barrier()


    def visits(k, carry):
        for p in range(NB):
            bn = (p + 1) % NB
            if p == 3:
                s_wait(bn)
            else:
                @pl.when(k >= 1)
                def _():
                    s_wait(bn)
            l_start(4 * k + p + 1, bn)
            l_wait(p)
            s_start(p)
        return carry

    lax.fori_loop(0, 19, visits, 0)
    s_wait(1)
    l_start(77, 1)
    l_wait(0)
    s_start(0)
    s_wait(2)
    l_wait(1)
    s_start(1)
    pltpu.sync_copy(src_hbm.at[pl.ds(base + FC * CH, TAIL)], idx_t)
    pltpu.sync_copy(ones_v.at[pl.ds(0, TAIL)], deg_sh.at[idx_t], add=True)
    s_wait(3)
    s_wait(0)
    s_wait(1)
    plsc.subcore_barrier()
    pltpu.sync_copy(deg_sh.at[pl.ds(r0, RPT)], deg_out.at[cid, pl.ds(r0, RPT)])


_deg_call = pl.kernel(
    _deg_body,
    out_type=jax.ShapeDtypeStruct((NC, NPAD, DEGW), jnp.float32),
    mesh=_MESH,
    scratch_types=(
        [pltpu.VMEM((CH,), jnp.int32)] * NB
        + [
            pltpu.VMEM((TAIL,), jnp.int32),
            pltpu.VMEM((CH, DEGW), jnp.float32),
            pltpu.VMEM((CH, DEGW), jnp.float32),
            pltpu.VMEM_SHARED((NPAD, DEGW), jnp.float32),
        ]
        + [pltpu.SemaphoreType.DMA] * (2 * NB)
    ),
)


def _edge_body(g_hbm, src_hbm, dst_hbm, acc_out,
               sidx0, sidx1, sidx2, sidx3, didx0, didx1, didx2, didx3,
               rows0, rows1, rows2, rows3, idx_t, rows_t, acc_sh,
               lsem0, lsem1, lsem2, lsem3, gsem0, gsem1, gsem2, gsem3,
               ssem0, ssem1, ssem2, ssem3, tsem):
    cid = lax.axis_index("c")
    tid = lax.axis_index("s")
    wid = cid * NS + tid
    base = wid * EPW
    sidx = (sidx0, sidx1, sidx2, sidx3)
    didx = (didx0, didx1, didx2, didx3)
    rows = (rows0, rows1, rows2, rows3)
    lsem = (lsem0, lsem1, lsem2, lsem3)
    gsem = (gsem0, gsem1, gsem2, gsem3)
    ssem = (ssem0, ssem1, ssem2, ssem3)

    def l_start(c, b):
        o = base + c * CHE
        pltpu.async_copy(src_hbm.at[pl.ds(o, CHE)], sidx[b], lsem[b])
        pltpu.async_copy(dst_hbm.at[pl.ds(o, CHE)], didx[b], lsem[b])

    def l_wait(b):
        pltpu.make_async_copy(src_hbm.at[pl.ds(base, CHE)], sidx[b],
                              lsem[b]).wait()
        pltpu.make_async_copy(dst_hbm.at[pl.ds(base, CHE)], didx[b],
                              lsem[b]).wait()

    def g_start(b):
        pltpu.async_copy(g_hbm.at[sidx[b]], rows[b], gsem[b])

    def g_wait(b):
        pltpu.make_async_copy(g_hbm.at[sidx[b]], rows[b], gsem[b]).wait()

    def s_start(b):
        pltpu.async_copy(rows[b], acc_sh.at[didx[b]], ssem[b], add=True)

    def s_wait(b):
        pltpu.make_async_copy(rows[b], acc_sh.at[didx[b]], ssem[b]).wait()

    l_start(0, 0)
    l_start(1, 1)

    def fillz(i, carry):
        for j in range(D // 16):
            rows0[i, pl.ds(j * 16, 16)] = jnp.zeros((16,), jnp.float32)
        return carry

    lax.fori_loop(0, CHE, fillz, 0)

    r0 = tid * RPT

    def zero(i, carry):
        pltpu.sync_copy(rows0, acc_sh.at[pl.ds(r0 + i * CHE, CHE)])
        return carry

    lax.fori_loop(0, RPT // CHE, zero, 0)
    plsc.subcore_barrier()

    l_wait(0)
    g_start(0)

    def visits(k, carry):
        for p in range(NB):
            bc = (1 + p) % NB
            bn = (2 + p) % NB
            bp = p
            if p >= 2:
                s_wait(bn)
            else:
                @pl.when(k >= 1)
                def _():
                    s_wait(bn)
            l_start(1 + 4 * k + p + 1, bn)
            l_wait(bc)
            g_start(bc)
            g_wait(bp)
            s_start(bp)
        return carry

    lax.fori_loop(0, 38, visits, 0)
    s_wait(2)
    l_start(154, 2)
    l_wait(1)
    g_start(1)
    g_wait(0)
    s_start(0)
    s_wait(3)
    l_start(155, 3)
    l_wait(2)
    g_start(2)
    g_wait(1)
    s_start(1)
    s_wait(0)
    l_wait(3)
    g_start(3)
    g_wait(2)
    s_start(2)
    g_wait(3)
    s_start(3)
    o = base + FCE * CHE
    pltpu.sync_copy(src_hbm.at[pl.ds(o, TAIL)], idx_t)
    pltpu.async_copy(g_hbm.at[idx_t], rows_t, tsem).wait()
    pltpu.sync_copy(dst_hbm.at[pl.ds(o, TAIL)], idx_t)
    pltpu.sync_copy(rows_t, acc_sh.at[idx_t], add=True)
    s_wait(1)
    s_wait(2)
    s_wait(3)
    plsc.subcore_barrier()
    pltpu.sync_copy(acc_sh.at[pl.ds(r0, RPT)], acc_out.at[cid, pl.ds(r0, RPT)])


_edge_call = pl.kernel(
    _edge_body,
    out_type=jax.ShapeDtypeStruct((NC, NPAD, D), jnp.float32),
    mesh=_MESH,
    scratch_types=(
        [pltpu.VMEM((CHE,), jnp.int32)] * (2 * NB)
        + [pltpu.VMEM((CHE, D), jnp.float32)] * NB
        + [
            pltpu.VMEM((TAIL,), jnp.int32),
            pltpu.VMEM((TAIL, D), jnp.float32),
            pltpu.VMEM_SHARED((NPAD, D), jnp.float32),
        ]
        + [pltpu.SemaphoreType.DMA] * (3 * NB + 1)
    ),
)


def _dense_body(x_ref, w_ref, deg_ref, g_ref):
    deg01 = deg_ref[0] + deg_ref[1]
    dis = lax.rsqrt(deg01[:, 0:1] + 1.0)
    h = jnp.dot(x_ref[:], w_ref[:], preferred_element_type=jnp.float32)
    g_ref[:] = dis * h


def _dense_call(x, w, degp):
    return pl.pallas_call(
        _dense_body,
        grid=(N // BN,),
        in_specs=[
            pl.BlockSpec((BN, D), lambda i: (i, 0)),
            pl.BlockSpec((D, D), lambda i: (0, 0)),
            pl.BlockSpec((NC, BN, DEGW), lambda i: (0, i, 0)),
        ],
        out_specs=pl.BlockSpec((BN, D), lambda i: (i, 0)),
        out_shape=jax.ShapeDtypeStruct((N, D), jnp.float32),
    )(x, w, degp)


def _final_body(acc_ref, g_ref, deg_ref, out_ref):
    deg01 = deg_ref[0] + deg_ref[1]
    dis = lax.rsqrt(deg01[:, 0:1] + 1.0)
    out_ref[:] = dis * (acc_ref[0] + acc_ref[1] + g_ref[:])


def _final_call(acc, g, degp):
    return pl.pallas_call(
        _final_body,
        grid=(N // BN,),
        in_specs=[
            pl.BlockSpec((NC, BN, D), lambda i: (0, i, 0)),
            pl.BlockSpec((BN, D), lambda i: (i, 0)),
            pl.BlockSpec((NC, BN, DEGW), lambda i: (0, i, 0)),
        ],
        out_specs=pl.BlockSpec((BN, D), lambda i: (i, 0)),
        out_shape=jax.ShapeDtypeStruct((N, D), jnp.float32),
    )(acc, g, degp)


def kernel(x, edge_index, W):
    src = edge_index[0].astype(jnp.int32)
    dst = edge_index[1].astype(jnp.int32)
    degp = _deg_call(src)
    g = _dense_call(x, W, degp)
    acc = _edge_call(g, src, dst)
    return _final_call(acc, g, degp)

# --- scband reference (transcript-rebuilt; emitter-appended) ---
"""Pipeline reference for scband-custom-general-conv-32487132627457 (READ-ONLY COPY).

The authoritative reference and input builder live on the scoring server;
editing this copy changes nothing except your own understanding.
"""

import jax, jax.numpy as jnp
import numpy as np

N_NODES = 10000
N_EDGES = 320000
D_IN = 128
D_OUT = 128


def setup_inputs(seed: int = 0) -> dict:
    key = jax.random.key(seed)
    k1, k2, k3 = jax.random.split(key, 3)
    x = jax.random.normal(k1, (N_NODES, D_IN), dtype=jnp.float32)
    edge_index = jax.random.randint(k2, (2, N_EDGES), 0, N_NODES, dtype=jnp.int64)
    # Glorot-style init for the linear weight (bias=False)
    scale = jnp.sqrt(6.0 / (D_IN + D_OUT)).astype(jnp.float32)
    W = jax.random.uniform(k3, (D_IN, D_OUT), dtype=jnp.float32, minval=-scale, maxval=scale)
    return {"x": x, "edge_index": edge_index, "W": W}


def reference(x, edge_index, W):
    # GeneralConvLayer (GraphGym): linear transform, add self-loops,
    # symmetric GCN normalization, scatter-add aggregation, no bias.
    N = x.shape[0]
    h = x @ W  # [N, D_OUT]
    src = edge_index[0]
    dst = edge_index[1]
    loop = jnp.arange(N, dtype=src.dtype)
    src = jnp.concatenate([src, loop], axis=0)
    dst = jnp.concatenate([dst, loop], axis=0)
    edge_weight = jnp.ones(src.shape[0], dtype=h.dtype)
    deg = jnp.zeros((N,), dtype=h.dtype).at[src].add(edge_weight)
    deg_inv_sqrt = jnp.where(deg > 0, jax.lax.rsqrt(jnp.maximum(deg, 1e-12)), 0.0)
    norm = deg_inv_sqrt[src] * edge_weight * deg_inv_sqrt[dst]
    msgs = norm[:, None] * h[src]  # gather source features
    out = jnp.zeros((N, h.shape[1]), dtype=h.dtype).at[dst].add(msgs)
    return out

if __name__ == "__main__":
    import jax
    _d = setup_inputs()
    print(jax.jit(kernel)(*tuple(_d.values())))

</pallas_src>

<mosaic_0001>
#map = affine_map<(d0, d1) -> (0)>
#map1 = affine_map<(d0, d1) -> (0, 0, 0)>
module attributes {stable_mosaic.version = 14 : i64} {
  func.func @_deg_body(%arg0: i32, %arg1: i32, %arg2: memref<320000xi32, #tpu.memory_space<hbm>>, %arg3: memref<2x10240x16xf32, #tpu.memory_space<hbm>>, %arg4: memref<128xi32, #tpu.memory_space<vmem>>, %arg5: memref<128xi32, #tpu.memory_space<vmem>>, %arg6: memref<128xi32, #tpu.memory_space<vmem>>, %arg7: memref<128xi32, #tpu.memory_space<vmem>>, %arg8: memref<16xi32, #tpu.memory_space<vmem>>, %arg9: memref<128x16xf32, #tpu.memory_space<vmem>>, %arg10: memref<128x16xf32, #tpu.memory_space<vmem>>, %arg11: memref<10240x16xf32, #tpu.memory_space<vmem_shared>>, %arg12: memref<!tpu.dma_semaphore, #tpu.memory_space<semaphore_mem>>, %arg13: memref<!tpu.dma_semaphore, #tpu.memory_space<semaphore_mem>>, %arg14: memref<!tpu.dma_semaphore, #tpu.memory_space<semaphore_mem>>, %arg15: memref<!tpu.dma_semaphore, #tpu.memory_space<semaphore_mem>>, %arg16: memref<!tpu.dma_semaphore, #tpu.memory_space<semaphore_mem>>, %arg17: memref<!tpu.dma_semaphore, #tpu.memory_space<semaphore_mem>>, %arg18: memref<!tpu.dma_semaphore, #tpu.memory_space<semaphore_mem>>, %arg19: memref<!tpu.dma_semaphore, #tpu.memory_space<semaphore_mem>>) attributes {dimension_semantics = [#tpu.dimension_semantics<core_parallel>, #tpu.dimension_semantics<subcore_parallel>], iteration_bounds = array<i64: 2, 16>, scalar_prefetch = 0 : i64, scratch_operands = 16 : i64, tpu.core_type = #tpu.core_type<sc_vector_subcore>, window_params = [{transform_indices = #map}, {transform_indices = #map1}]} {
    %mul3A = arith.constant 16 : i32
    %mul3A_0 = arith.muli %arg0, %mul3A : i32
    %add3A = arith.addi %mul3A_0, %arg1 : i32
    %mul3A_1 = arith.constant 10000 : i32
    %mul3A_2 = arith.muli %add3A, %mul3A_1 : i32
    %add3A_3 = arith.constant 0 : i32
    %add3A_4 = arith.addi %mul3A_2, %add3A_3 : i32
    %dma_start3A = tpu.memref_slice %arg2[%add3A_4] : memref<320000xi32, #tpu.memory_space<hbm>> -> memref<128xi32, #tpu.memory_space<hbm>>
    %dma_start3A_5 = tpu.memref_slice %arg2[%add3A_4] : memref<320000xi32, #tpu.memory_space<hbm>> -> memref<128xi32, #tpu.memory_space<hbm>>
    tpu.enqueue_dma source(%dma_start3A_5 : memref<128xi32, #tpu.memory_space<hbm>>) target(%arg4 : memref<128xi32, #tpu.memory_space<vmem>>) target_semaphore(%arg12 : memref<!tpu.dma_semaphore, #tpu.memory_space<semaphore_mem>>)
    %scan3A = arith.constant 0 : i32
    %scan3A_6 = arith.constant 0 : i32
    %scan3A_7 = arith.constant 128 : i32
    %scan3A_8 = arith.addi %scan3A_6, %scan3A_7 : i32
    %scan3A_9 = arith.constant 1 : i32
    scf.for %scan3A_56 = %scan3A_6 to %scan3A_8 step %scan3A_9  : i32 {
      %broadcast_in_dim3A = arith.constant 1.000000e+00 : f32
      %broadcast_in_dim3A_57 = vector.broadcast %broadcast_in_dim3A : f32 to vector<16xf32>
      %swap3A = arith.index_cast %scan3A_56 : i32 to index
      %swap3A_58 = arith.constant 0 : index
      %swap3A_59 = tpu.vector_load %arg9[%swap3A, %swap3A_58] {strides = array<i32>} : memref<128x16xf32, #tpu.memory_space<vmem>>, vector<1x16xf32>,
      %swap3A_60 = vector.shape_cast %swap3A_59 : vector<1x16xf32> to vector<16xf32>
      %swap3A_61 = vector.shape_cast %broadcast_in_dim3A_57 : vector<16xf32> to vector<1x16xf32>
      tpu.vector_store %arg9[%swap3A, %swap3A_58], %swap3A_61 {strides = array<i32>} : memref<128x16xf32, #tpu.memory_space<vmem>>, vector<1x16xf32>,
      %broadcast_in_dim3A_62 = arith.constant 0.000000e+00 : f32
      %broadcast_in_dim3A_63 = vector.broadcast %broadcast_in_dim3A_62 : f32 to vector<16xf32>
      %swap3A_64 = arith.index_cast %scan3A_56 : i32 to index
      %swap3A_65 = arith.constant 0 : index
      %swap3A_66 = tpu.vector_load %arg10[%swap3A_64, %swap3A_65] {strides = array<i32>} : memref<128x16xf32, #tpu.memory_space<vmem>>, vector<1x16xf32>,
      %swap3A_67 = vector.shape_cast %swap3A_66 : vector<1x16xf32> to vector<16xf32>
      %swap3A_68 = vector.shape_cast %broadcast_in_dim3A_63 : vector<16xf32> to vector<1x16xf32>
      tpu.vector_store %arg10[%swap3A_64, %swap3A_65], %swap3A_68 {strides = array<i32>} : memref<128x16xf32, #tpu.memory_space<vmem>>, vector<1x16xf32>,
    }
    %scan3A_10 = arith.constant 128 : i32
    %mul3A_11 = arith.constant 640 : i32
    %mul3A_12 = arith.muli %arg1, %mul3A_11 : i32
    %scan3A_13 = arith.constant 0 : i32
    %scan3A_14 = arith.constant 0 : i32
    %scan3A_15 = arith.constant 5 : i32
    %scan3A_16 = arith.addi %scan3A_14, %scan3A_15 : i32
    %scan3A_17 = arith.constant 1 : i32
    scf.for %scan3A_56 = %scan3A_14 to %scan3A_16 step %scan3A_17  : i32 {
      %mul3A_57 = arith.constant 128 : i32
      %mul3A_58 = arith.muli %scan3A_56, %mul3A_57 : i32
      %add3A_59 = arith.addi %mul3A_12, %mul3A_58 : i32
      "tpu.region"() ({
        %run_scoped3A = tpu.sem_alloc : memref<!tpu.dma_semaphore, #tpu.memory_space<semaphore_mem>>
        %dma_start3A_60 = arith.constant 0 : i32
        %dma_start3A_61 = tpu.memref_slice %arg11[%add3A_59, %dma_start3A_60] : memref<10240x16xf32, #tpu.memory_space<vmem_shared>> -> memref<128x16xf32, #tpu.memory_space<vmem_shared>>
        %dma_start3A_62 = arith.constant 0 : i32
        %dma_start3A_63 = tpu.memref_slice %arg11[%add3A_59, %dma_start3A_62] : memref<10240x16xf32, #tpu.memory_space<vmem_shared>> -> memref<128x16xf32, #tpu.memory_space<vmem_shared>>
        tpu.enqueue_dma source(%arg10 : memref<128x16xf32, #tpu.memory_space<vmem>>) target(%dma_start3A_63 : memref<128x16xf32, #tpu.memory_space<vmem_shared>>) target_semaphore(%run_scoped3A : memref<!tpu.dma_semaphore, #tpu.memory_space<semaphore_mem>>)
        %dma_wait3A_64 = arith.constant 0 : i32
        %dma_wait3A_65 = tpu.memref_slice %arg11[%add3A_59, %dma_wait3A_64] : memref<10240x16xf32, #tpu.memory_space<vmem_shared>> -> memref<128x16xf32, #tpu.memory_space<vmem_shared>>
        %dma_wait3A_66 = arith.constant 0 : i32
        %dma_wait3A_67 = tpu.memref_slice %arg11[%add3A_59, %dma_wait3A_66] : memref<10240x16xf32, #tpu.memory_space<vmem_shared>> -> memref<128x16xf32, #tpu.memory_space<vmem_shared>>
        tpu.wait_dma2 semaphore(%run_scoped3A : memref<!tpu.dma_semaphore, #tpu.memory_space<semaphore_mem>>) src(%arg10 : memref<128x16xf32, #tpu.memory_space<vmem>>) dst(%dma_wait3A_67 : memref<128x16xf32, #tpu.memory_space<vmem_shared>>)
        tpu.yield
      }) : () -> ()
    }
    %scan3A_18 = arith.constant 5 : i32
    %barrier3A = arith.constant 0 : index
    tpu.barrier barrier_id(%barrier3A)
    %scan3A_19 = arith.constant 0 : i32
    %scan3A_20 = arith.constant 0 : i32
    %scan3A_21 = arith.constant 19 : i32
    %scan3A_22 = arith.addi %scan3A_20, %scan3A_21 : i32
    %scan3A_23 = arith.constant 1 : i32
    scf.for %scan3A_56 = %scan3A_20 to %scan3A_22 step %scan3A_23  : i32 {
      %ge3A = arith.constant 1 : i32
      %ge3A_57 = arith.cmpi sge, %scan3A_56, %ge3A : i32
      %convert_element_type3A = arith.extui %ge3A_57 : i1 to i32
      %cond3A = arith.constant 0 : i32
      %cond3A_58 = arith.cmpi ne, %convert_element_type3A, %cond3A : i32
      scf.if %cond3A_58 {
        %dma_wait3A_136 = arith.constant 0 : i32
        %dma_wait3A_137 = arith.constant 0 : i32
        %dma_wait3A_138 = tpu.memref_slice %arg11[%dma_wait3A_136, %dma_wait3A_137] : memref<10240x16xf32, #tpu.memory_space<vmem_shared>> -> memref<10240x16xf32, #tpu.memory_space<vmem_shared>>
        tpu.wait_indirect_dma semaphore(%arg17 : memref<!tpu.dma_semaphore, #tpu.memory_space<semaphore_mem>>) src(%arg9 : memref<128x16xf32, #tpu.memory_space<vmem>>) dst(%dma_wait3A_138 : memref<10240x16xf32, #tpu.memory_space<vmem_shared>>)
      } else {
      }
      %mul3A_59 = arith.constant 4 : i32
      %mul3A_60 = arith.muli %mul3A_59, %scan3A_56 : i32
      %add3A_61 = arith.constant 0 : i32
      %add3A_62 = arith.addi %mul3A_60, %add3A_61 : i32
      %add3A_63 = arith.constant 1 : i32
      %add3A_64 = arith.addi %add3A_62, %add3A_63 : i32
      %mul3A_65 = arith.constant 128 : i32
      %mul3A_66 = arith.muli %add3A_64, %mul3A_65 : i32
      %add3A_67 = arith.addi %mul3A_2, %mul3A_66 : i32
      %dma_start3A_68 = tpu.memref_slice %arg2[%add3A_67] : memref<320000xi32, #tpu.memory_space<hbm>> -> memref<128xi32, #tpu.memory_space<hbm>>
      %dma_start3A_69 = tpu.memref_slice %arg2[%add3A_67] : memref<320000xi32, #tpu.memory_space<hbm>> -> memref<128xi32, #tpu.memory_space<hbm>>
      tpu.enqueue_dma source(%dma_start3A_69 : memref<128xi32, #tpu.memory_space<hbm>>) target(%arg5 : memref<128xi32, #tpu.memory_space<vmem>>) target_semaphore(%arg13 : memref<!tpu.dma_semaphore, #tpu.memory_space<semaphore_mem>>)
      %dma_wait3A_70 = tpu.memref_slice %arg2[%mul3A_2] : memref<320000xi32, #tpu.memory_space<hbm>> -> memref<128xi32, #tpu.memory_space<hbm>>
      %dma_wait3A_71 = tpu.memref_slice %arg2[%mul3A_2] : memref<320000xi32, #tpu.memory_space<hbm>> -> memref<128xi32, #tpu.memory_space<hbm>>
      tpu.wait_dma2 semaphore(%arg12 : memref<!tpu.dma_semaphore, #tpu.memory_space<semaphore_mem>>) src(%dma_wait3A_71 : memref<128xi32, #tpu.memory_space<hbm>>) dst(%arg4 : memref<128xi32, #tpu.memory_space<vmem>>)
      %dma_start3A_72 = arith.constant 0 : i32
      %dma_start3A_73 = arith.constant 0 : i32
      %dma_start3A_74 = tpu.memref_slice %arg11[%dma_start3A_72, %dma_start3A_73] : memref<10240x16xf32, #tpu.memory_space<vmem_shared>> -> memref<10240x16xf32, #tpu.memory_space<vmem_shared>>
      tpu.enqueue_indirect_dma source(%arg9 : memref<128x16xf32, #tpu.memory_space<vmem>>) target(%dma_start3A_74 : memref<10240x16xf32, #tpu.memory_space<vmem_shared>>) offsets(%arg4 : memref<128xi32, #tpu.memory_space<vmem>>) semaphore(%arg16 : memref<!tpu.dma_semaphore, #tpu.memory_space<semaphore_mem>>) {add = true}
      %ge3A_75 = arith.constant 1 : i32
      %ge3A_76 = arith.cmpi sge, %scan3A_56, %ge3A_75 : i32
      %convert_element_type3A_77 = arith.extui %ge3A_76 : i1 to i32
      %cond3A_78 = arith.constant 0 : i32
      %cond3A_79 = arith.cmpi ne, %convert_element_type3A_77, %cond3A_78 : i32
      scf.if %cond3A_79 {
        %dma_wait3A_136 = arith.constant 0 : i32
        %dma_wait3A_137 = arith.constant 0 : i32
        %dma_wait3A_138 = tpu.memref_slice %arg11[%dma_wait3A_136, %dma_wait3A_137] : memref<10240x16xf32, #tpu.memory_space<vmem_shared>> -> memref<10240x16xf32, #tpu.memory_space<vmem_shared>>
        tpu.wait_indirect_dma semaphore(%arg18 : memref<!tpu.dma_semaphore, #tpu.memory_space<semaphore_mem>>) src(%arg9 : memref<128x16xf32, #tpu.memory_space<vmem>>) dst(%dma_wait3A_138 : memref<10240x16xf32, #tpu.memory_space<vmem_shared>>)
      } else {
      }
      %mul3A_80 = arith.constant 4 : i32
      %mul3A_81 = arith.muli %mul3A_80, %scan3A_56 : i32
      %add3A_82 = arith.constant 1 : i32
      %add3A_83 = arith.addi %mul3A_81, %add3A_82 : i32
      %add3A_84 = arith.constant 1 : i32
      %add3A_85 = arith.addi %add3A_83, %add3A_84 : i32
      %mul3A_86 = arith.constant 128 : i32
      %mul3A_87 = arith.muli %add3A_85, %mul3A_86 : i32
      %add3A_88 = arith.addi %mul3A_2, %mul3A_87 : i32
      %dma_start3A_89 = tpu.memref_slice %arg2[%add3A_88] : memref<320000xi32, #tpu.memory_space<hbm>> -> memref<128xi32, #tpu.memory_space<hbm>>
      %dma_start3A_90 = tpu.memref_slice %arg2[%add3A_88] : memref<320000xi32, #tpu.memory_space<hbm>> -> memref<128xi32, #tpu.memory_space<hbm>>
      tpu.enqueue_dma source(%dma_start3A_90 : memref<128xi32, #tpu.memory_space<hbm>>) target(%arg6 : memref<128xi32, #tpu.memory_space<vmem>>) target_semaphore(%arg14 : memref<!tpu.dma_semaphore, #tpu.memory_space<semaphore_mem>>)
      %dma_wait3A_91 = tpu.memref_slice %arg2[%mul3A_2] : memref<320000xi32, #tpu.memory_space<hbm>> -> memref<128xi32, #tpu.memory_space<hbm>>
      %dma_wait3A_92 = tpu.memref_slice %arg2[%mul3A_2] : memref<320000xi32, #tpu.memory_space<hbm>> -> memref<128xi32, #tpu.memory_space<hbm>>
      tpu.wait_dma2 semaphore(%arg13 : memref<!tpu.dma_semaphore, #tpu.memory_space<semaphore_mem>>) src(%dma_wait3A_92 : memref<128xi32, #tpu.memory_space<hbm>>) dst(%arg5 : memref<128xi32, #tpu.memory_space<vmem>>)
      %dma_start3A_93 = arith.constant 0 : i32
      %dma_start3A_94 = arith.constant 0 : i32
      %dma_start3A_95 = tpu.memref_slice %arg11[%dma_start3A_93, %dma_start3A_94] : memref<10240x16xf32, #tpu.memory_space<vmem_shared>> -> memref<10240x16xf32, #tpu.memory_space<vmem_shared>>
      tpu.enqueue_indirect_dma source(%arg9 : memref<128x16xf32, #tpu.memory_space<vmem>>) target(%dma_start3A_95 : memref<10240x16xf32, #tpu.memory_space<vmem_shared>>) offsets(%arg5 : memref<128xi32, #tpu.memory_space<vmem>>) semaphore(%arg17 : memref<!tpu.dma_semaphore, #tpu.memory_space<semaphore_mem>>) {add = true}
      %ge3A_96 = arith.constant 1 : i32
      %ge3A_97 = arith.cmpi sge, %scan3A_56, %ge3A_96 : i32
      %convert_element_type3A_98 = arith.extui %ge3A_97 : i1 to i32
      %cond3A_99 = arith.constant 0 : i32
      %cond3A_100 = arith.cmpi ne, %convert_element_type3A_98, %cond3A_99 : i32
      scf.if %cond3A_100 {
        %dma_wait3A_136 = arith.constant 0 : i32
        %dma_wait3A_137 = arith.constant 0 : i32
        %dma_wait3A_138 = tpu.memref_slice %arg11[%dma_wait3A_136, %dma_wait3A_137] : memref<10240x16xf32, #tpu.memory_space<vmem_shared>> -> memref<10240x16xf32, #tpu.memory_space<vmem_shared>>
        tpu.wait_indirect_dma semaphore(%arg19 : memref<!tpu.dma_semaphore, #tpu.memory_space<semaphore_mem>>) src(%arg9 : memref<128x16xf32, #tpu.memory_space<vmem>>) dst(%dma_wait3A_138 : memref<10240x16xf32, #tpu.memory_space<vmem_shared>>)
      } else {
      }
      %mul3A_101 = arith.constant 4 : i32
      %mul3A_102 = arith.muli %mul3A_101, %scan3A_56 : i32
      %add3A_103 = arith.constant 2 : i32
      %add3A_104 = arith.addi %mul3A_102, %add3A_103 : i32
      %add3A_105 = arith.constant 1 : i32
      %add3A_106 = arith.addi %add3A_104, %add3A_105 : i32
      %mul3A_107 = arith.constant 128 : i32
      %mul3A_108 = arith.muli %add3A_106, %mul3A_107 : i32
      %add3A_109 = arith.addi %mul3A_2, %mul3A_108 : i32
      %dma_start3A_110 = tpu.memref_slice %arg2[%add3A_109] : memref<320000xi32, #tpu.memory_space<hbm>> -> memref<128xi32, #tpu.memory_space<hbm>>
      %dma_start3A_111 = tpu.memref_slice %arg2[%add3A_109] : memref<320000xi32, #tpu.memory_space<hbm>> -> memref<128xi32, #tpu.memory_space<hbm>>
      tpu.enqueue_dma source(%dma_start3A_111 : memref<128xi32, #tpu.memory_space<hbm>>) target(%arg7 : memref<128xi32, #tpu.memory_space<vmem>>) target_semaphore(%arg15 : memref<!tpu.dma_semaphore, #tpu.memory_space<semaphore_mem>>)
      %dma_wait3A_112 = tpu.memref_slice %arg2[%mul3A_2] : memref<320000xi32, #tpu.memory_space<hbm>> -> memref<128xi32, #tpu.memory_space<hbm>>
      %dma_wait3A_113 = tpu.memref_slice %arg2[%mul3A_2] : memref<320000xi32, #tpu.memory_space<hbm>> -> memref<128xi32, #tpu.memory_space<hbm>>
      tpu.wait_dma2 semaphore(%arg14 : memref<!tpu.dma_semaphore, #tpu.memory_space<semaphore_mem>>) src(%dma_wait3A_113 : memref<128xi32, #tpu.memory_space<hbm>>) dst(%arg6 : memref<128xi32, #tpu.memory_space<vmem>>)
      %dma_start3A_114 = arith.constant 0 : i32
      %dma_start3A_115 = arith.constant 0 : i32
      %dma_start3A_116 = tpu.memref_slice %arg11[%dma_start3A_114, %dma_start3A_115] : memref<10240x16xf32, #tpu.memory_space<vmem_shared>> -> memref<10240x16xf32, #tpu.memory_space<vmem_shared>>
      tpu.enqueue_indirect_dma source(%arg9 : memref<128x16xf32, #tpu.memory_space<vmem>>) target(%dma_start3A_116 : memref<10240x16xf32, #tpu.memory_space<vmem_shared>>) offsets(%arg6 : memref<128xi32, #tpu.memory_space<vmem>>) semaphore(%arg18 : memref<!tpu.dma_semaphore, #tpu.memory_space<semaphore_mem>>) {add = true}
      %dma_wait3A_117 = arith.constant 0 : i32
      %dma_wait3A_118 = arith.constant 0 : i32
      %dma_wait3A_119 = tpu.memref_slice %arg11[%dma_wait3A_117, %dma_wait3A_118] : memref<10240x16xf32, #tpu.memory_space<vmem_shared>> -> memref<10240x16xf32, #tpu.memory_space<vmem_shared>>
      tpu.wait_indirect_dma semaphore(%arg16 : memref<!tpu.dma_semaphore, #tpu.memory_space<semaphore_mem>>) src(%arg9 : memref<128x16xf32, #tpu.memory_space<vmem>>) dst(%dma_wait3A_119 : memref<10240x16xf32, #tpu.memory_space<vmem_shared>>)
      %mul3A_120 = arith.constant 4 : i32
      %mul3A_121 = arith.muli %mul3A_120, %scan3A_56 : i32
      %add3A_122 = arith.constant 3 : i32
      %add3A_123 = arith.addi %mul3A_121, %add3A_122 : i32
      %add3A_124 = arith.constant 1 : i32
      %add3A_125 = arith.addi %add3A_123, %add3A_124 : i32
      %mul3A_126 = arith.constant 128 : i32
      %mul3A_127 = arith.muli %add3A_125, %mul3A_126 : i32
      %add3A_128 = arith.addi %mul3A_2, %mul3A_127 : i32
      %dma_start3A_129 = tpu.memref_slice %arg2[%add3A_128] : memref<320000xi32, #tpu.memory_space<hbm>> -> memref<128xi32, #tpu.memory_space<hbm>>
      %dma_start3A_130 = tpu.memref_slice %arg2[%add3A_128] : memref<320000xi32, #tpu.memory_space<hbm>> -> memref<128xi32, #tpu.memory_space<hbm>>
      tpu.enqueue_dma source(%dma_start3A_130 : memref<128xi32, #tpu.memory_space<hbm>>) target(%arg4 : memref<128xi32, #tpu.memory_space<vmem>>) target_semaphore(%arg12 : memref<!tpu.dma_semaphore, #tpu.memory_space<semaphore_mem>>)
      %dma_wait3A_131 = tpu.memref_slice %arg2[%mul3A_2] : memref<320000xi32, #tpu.memory_space<hbm>> -> memref<128xi32, #tpu.memory_space<hbm>>
      %dma_wait3A_132 = tpu.memref_slice %arg2[%mul3A_2] : memref<320000xi32, #tpu.memory_space<hbm>> -> memref<128xi32, #tpu.memory_space<hbm>>
      tpu.wait_dma2 semaphore(%arg15 : memref<!tpu.dma_semaphore, #tpu.memory_space<semaphore_mem>>) src(%dma_wait3A_132 : memref<128xi32, #tpu.memory_space<hbm>>) dst(%arg7 : memref<128xi32, #tpu.memory_space<vmem>>)
      %dma_start3A_133 = arith.constant 0 : i32
      %dma_start3A_134 = arith.constant 0 : i32
      %dma_start3A_135 = tpu.memref_slice %arg11[%dma_start3A_133, %dma_start3A_134] : memref<10240x16xf32, #tpu.memory_space<vmem_shared>> -> memref<10240x16xf32, #tpu.memory_space<vmem_shared>>
      tpu.enqueue_indirect_dma source(%arg9 : memref<128x16xf32, #tpu.memory_space<vmem>>) target(%dma_start3A_135 : memref<10240x16xf32, #tpu.memory_space<vmem_shared>>) offsets(%arg7 : memref<128xi32, #tpu.memory_space<vmem>>) semaphore(%arg19 : memref<!tpu.dma_semaphore, #tpu.memory_space<semaphore_mem>>) {add = true}
    }
    %scan3A_24 = arith.constant 19 : i32
    %dma_wait3A = arith.constant 0 : i32
    %dma_wait3A_25 = arith.constant 0 : i32
    %dma_wait3A_26 = tpu.memref_slice %arg11[%dma_wait3A, %dma_wait3A_25] : memref<10240x16xf32, #tpu.memory_space<vmem_shared>> -> memref<10240x16xf32, #tpu.memory_space<vmem_shared>>
    tpu.wait_indirect_dma semaphore(%arg17 : memref<!tpu.dma_semaphore, #tpu.memory_space<semaphore_mem>>) src(%arg9 : memref<128x16xf32, #tpu.memory_space<vmem>>) dst(%dma_wait3A_26 : memref<10240x16xf32, #tpu.memory_space<vmem_shared>>)
    %add3A_27 = arith.constant 9856 : i32
    %add3A_28 = arith.addi %mul3A_2, %add3A_27 : i32
    %dma_start3A_29 = tpu.memref_slice %arg2[%add3A_28] : memref<320000xi32, #tpu.memory_space<hbm>> -> memref<128xi32, #tpu.memory_space<hbm>>
    %dma_start3A_30 = tpu.memref_slice %arg2[%add3A_28] : memref<320000xi32, #tpu.memory_space<hbm>> -> memref<128xi32, #tpu.memory_space<hbm>>
    tpu.enqueue_dma source(%dma_start3A_30 : memref<128xi32, #tpu.memory_space<hbm>>) target(%arg5 : memref<128xi32, #tpu.memory_space<vmem>>) target_semaphore(%arg13 : memref<!tpu.dma_semaphore, #tpu.memory_space<semaphore_mem>>)
    %dma_wait3A_31 = tpu.memref_slice %arg2[%mul3A_2] : memref<320000xi32, #tpu.memory_space<hbm>> -> memref<128xi32, #tpu.memory_space<hbm>>
    %dma_wait3A_32 = tpu.memref_slice %arg2[%mul3A_2] : memref<320000xi32, #tpu.memory_space<hbm>> -> memref<128xi32, #tpu.memory_space<hbm>>
    tpu.wait_dma2 semaphore(%arg12 : memref<!tpu.dma_semaphore, #tpu.memory_space<semaphore_mem>>) src(%dma_wait3A_32 : memref<128xi32, #tpu.memory_space<hbm>>) dst(%arg4 : memref<128xi32, #tpu.memory_space<vmem>>)
    %dma_start3A_33 = arith.constant 0 : i32
    %dma_start3A_34 = arith.constant 0 : i32
    %dma_start3A_35 = tpu.memref_slice %arg11[%dma_start3A_33, %dma_start3A_34] : memref<10240x16xf32, #tpu.memory_space<vmem_shared>> -> memref<10240x16xf32, #tpu.memory_space<vmem_shared>>
    tpu.enqueue_indirect_dma source(%arg9 : memref<128x16xf32, #tpu.memory_space<vmem>>) target(%dma_start3A_35 : memref<10240x16xf32, #tpu.memory_space<vmem_shared>>) offsets(%arg4 : memref<128xi32, #tpu.memory_space<vmem>>) semaphore(%arg16 : memref<!tpu.dma_semaphore, #tpu.memory_space<semaphore_mem>>) {add = true}
    %dma_wait3A_36 = arith.constant 0 : i32
    %dma_wait3A_37 = arith.constant 0 : i32
    %dma_wait3A_38 = tpu.memref_slice %arg11[%dma_wait3A_36, %dma_wait3A_37] : memref<10240x16xf32, #tpu.memory_space<vmem_shared>> -> memref<10240x16xf32, #tpu.memory_space<vmem_shared>>
    tpu.wait_indirect_dma semaphore(%arg18 : memref<!tpu.dma_semaphore, #tpu.memory_space<semaphore_mem>>) src(%arg9 : memref<128x16xf32, #tpu.memory_space<vmem>>) dst(%dma_wait3A_38 : memref<10240x16xf32, #tpu.memory_space<vmem_shared>>)
    %dma_wait3A_39 = tpu.memref_slice %arg2[%mul3A_2] : memref<320000xi32, #tpu.memory_space<hbm>> -> memref<128xi32, #tpu.memory_space<hbm>>
    %dma_wait3A_40 = tpu.memref_slice %arg2[%mul3A_2] : memref<320000xi32, #tpu.memory_space<hbm>> -> memref<128xi32, #tpu.memory_space<hbm>>
    tpu.wait_dma2 semaphore(%arg13 : memref<!tpu.dma_semaphore, #tpu.memory_space<semaphore_mem>>) src(%dma_wait3A_40 : memref<128xi32, #tpu.memory_space<hbm>>) dst(%arg5 : memref<128xi32, #tpu.memory_space<vmem>>)
    %dma_start3A_41 = arith.constant 0 : i32
    %dma_start3A_42 = arith.constant 0 : i32
    %dma_start3A_43 = tpu.memref_slice %arg11[%dma_start3A_41, %dma_start3A_42] : memref<10240x16xf32, #tpu.memory_space<vmem_shared>> -> memref<10240x16xf32, #tpu.memory_space<vmem_shared>>
    tpu.enqueue_indirect_dma source(%arg9 : memref<128x16xf32, #tpu.memory_space<vmem>>) target(%dma_start3A_43 : memref<10240x16xf32, #tpu.memory_space<vmem_shared>>) offsets(%arg5 : memref<128xi32, #tpu.memory_space<vmem>>) semaphore(%arg17 : memref<!tpu.dma_semaphore, #tpu.memory_space<semaphore_mem>>) {add = true}
    %add3A_44 = arith.constant 9984 : i32
    %add3A_45 = arith.addi %mul3A_2, %add3A_44 : i32
    "tpu.region"() ({
      %run_scoped3A = tpu.sem_alloc : memref<!tpu.dma_semaphore, #tpu.memory_space<semaphore_mem>>
      %dma_start3A_56 = tpu.memref_slice %arg2[%add3A_45] : memref<320000xi32, #tpu.memory_space<hbm>> -> memref<16xi32, #tpu.memory_space<hbm>>
      %dma_start3A_57 = tpu.memref_slice %arg2[%add3A_45] : memref<320000xi32, #tpu.memory_space<hbm>> -> memref<16xi32, #tpu.memory_space<hbm>>
      tpu.enqueue_dma source(%dma_start3A_57 : memref<16xi32, #tpu.memory_space<hbm>>) target(%arg8 : memref<16xi32, #tpu.memory_space<vmem>>) target_semaphore(%run_scoped3A : memref<!tpu.dma_semaphore, #tpu.memory_space<semaphore_mem>>)
      %dma_wait3A_58 = tpu.memref_slice %arg2[%add3A_45] : memref<320000xi32, #tpu.memory_space<hbm>> -> memref<16xi32, #tpu.memory_space<hbm>>
      %dma_wait3A_59 = tpu.memref_slice %arg2[%add3A_45] : memref<320000xi32, #tpu.memory_space<hbm>> -> memref<16xi32, #tpu.memory_space<hbm>>
      tpu.wait_dma2 semaphore(%run_scoped3A : memref<!tpu.dma_semaphore, #tpu.memory_space<semaphore_mem>>) src(%dma_wait3A_59 : memref<16xi32, #tpu.memory_space<hbm>>) dst(%arg8 : memref<16xi32, #tpu.memory_space<vmem>>)
      tpu.yield
    }) : () -> ()
    "tpu.region"() ({
      %run_scoped3A = tpu.sem_alloc : memref<!tpu.dma_semaphore, #tpu.memory_space<semaphore_mem>>
      %dma_start3A_56 = arith.constant 0 : i32
      %dma_start3A_57 = arith.constant 0 : i32
      %dma_start3A_58 = tpu.memref_slice %arg9[%dma_start3A_56, %dma_start3A_57] : memref<128x16xf32, #tpu.memory_space<vmem>> -> memref<16x16xf32, #tpu.memory_space<vmem>>
      %dma_start3A_59 = arith.constant 0 : i32
      %dma_start3A_60 = arith.constant 0 : i32
      %dma_start3A_61 = tpu.memref_slice %arg11[%dma_start3A_59, %dma_start3A_60] : memref<10240x16xf32, #tpu.memory_space<vmem_shared>> -> memref<10240x16xf32, #tpu.memory_space<vmem_shared>>
      tpu.enqueue_indirect_dma source(%dma_start3A_58 : memref<16x16xf32, #tpu.memory_space<vmem>>) target(%dma_start3A_61 : memref<10240x16xf32, #tpu.memory_space<vmem_shared>>) offsets(%arg8 : memref<16xi32, #tpu.memory_space<vmem>>) semaphore(%run_scoped3A : memref<!tpu.dma_semaphore, #tpu.memory_space<semaphore_mem>>) {add = true}
      %dma_wait3A_62 = arith.constant 0 : i32
      %dma_wait3A_63 = arith.constant 0 : i32
      %dma_wait3A_64 = tpu.memref_slice %arg9[%dma_wait3A_62, %dma_wait3A_63] : memref<128x16xf32, #tpu.memory_space<vmem>> -> memref<16x16xf32, #tpu.memory_space<vmem>>
      %dma_wait3A_65 = arith.constant 0 : i32
      %dma_wait3A_66 = arith.constant 0 : i32
      %dma_wait3A_67 = tpu.memref_slice %arg11[%dma_wait3A_65, %dma_wait3A_66] : memref<10240x16xf32, #tpu.memory_space<vmem_shared>> -> memref<10240x16xf32, #tpu.memory_space<vmem_shared>>
      tpu.wait_indirect_dma semaphore(%run_scoped3A : memref<!tpu.dma_semaphore, #tpu.memory_space<semaphore_mem>>) src(%dma_wait3A_64 : memref<16x16xf32, #tpu.memory_space<vmem>>) dst(%dma_wait3A_67 : memref<10240x16xf32, #tpu.memory_space<vmem_shared>>)
      tpu.yield
    }) : () -> ()
    %dma_wait3A_46 = arith.constant 0 : i32
    %dma_wait3A_47 = arith.constant 0 : i32
    %dma_wait3A_48 = tpu.memref_slice %arg11[%dma_wait3A_46, %dma_wait3A_47] : memref<10240x16xf32, #tpu.memory_space<vmem_shared>> -> memref<10240x16xf32, #tpu.memory_space<vmem_shared>>
    tpu.wait_indirect_dma semaphore(%arg19 : memref<!tpu.dma_semaphore, #tpu.memory_space<semaphore_mem>>) src(%arg9 : memref<128x16xf32, #tpu.memory_space<vmem>>) dst(%dma_wait3A_48 : memref<10240x16xf32, #tpu.memory_space<vmem_shared>>)
    %dma_wait3A_49 = arith.constant 0 : i32
    %dma_wait3A_50 = arith.constant 0 : i32
    %dma_wait3A_51 = tpu.memref_slice %arg11[%dma_wait3A_49, %dma_wait3A_50] : memref<10240x16xf32, #tpu.memory_space<vmem_shared>> -> memref<10240x16xf32, #tpu.memory_space<vmem_shared>>
    tpu.wait_indirect_dma semaphore(%arg16 : memref<!tpu.dma_semaphore, #tpu.memory_space<semaphore_mem>>) src(%arg9 : memref<128x16xf32, #tpu.memory_space<vmem>>) dst(%dma_wait3A_51 : memref<10240x16xf32, #tpu.memory_space<vmem_shared>>)
    %dma_wait3A_52 = arith.constant 0 : i32
    %dma_wait3A_53 = arith.constant 0 : i32
    %dma_wait3A_54 = tpu.memref_slice %arg11[%dma_wait3A_52, %dma_wait3A_53] : memref<10240x16xf32, #tpu.memory_space<vmem_shared>> -> memref<10240x16xf32, #tpu.memory_space<vmem_shared>>
    tpu.wait_indirect_dma semaphore(%arg17 : memref<!tpu.dma_semaphore, #tpu.memory_space<semaphore_mem>>) src(%arg9 : memref<128x16xf32, #tpu.memory_space<vmem>>) dst(%dma_wait3A_54 : memref<10240x16xf32, #tpu.memory_space<vmem_shared>>)
    %barrier3A_55 = arith.constant 0 : index
    tpu.barrier barrier_id(%barrier3A_55)
    "tpu.region"() ({
      %run_scoped3A = tpu.sem_alloc : memref<!tpu.dma_semaphore, #tpu.memory_space<semaphore_mem>>
      %dma_start3A_56 = arith.constant 0 : i32
      %dma_start3A_57 = tpu.memref_slice %arg3[%arg0, %mul3A_12, %dma_start3A_56] : memref<2x10240x16xf32, #tpu.memory_space<hbm>> -> memref<1x640x16xf32, #tpu.memory_space<hbm>>
      %dma_start3A_58 = tpu.memref_squeeze %dma_start3A_57 : memref<1x640x16xf32, #tpu.memory_space<hbm>> -> memref<640x16xf32, #tpu.memory_space<hbm>>
      %dma_start3A_59 = arith.constant 0 : i32
      %dma_start3A_60 = tpu.memref_slice %arg11[%mul3A_12, %dma_start3A_59] : memref<10240x16xf32, #tpu.memory_space<vmem_shared>> -> memref<640x16xf32, #tpu.memory_space<vmem_shared>>
      tpu.enqueue_dma source(%dma_start3A_60 : memref<640x16xf32, #tpu.memory_space<vmem_shared>>) target(%dma_start3A_58 : memref<640x16xf32, #tpu.memory_space<hbm>>) target_semaphore(%run_scoped3A : memref<!tpu.dma_semaphore, #tpu.memory_space<semaphore_mem>>)
      %dma_wait3A_61 = arith.constant 0 : i32
      %dma_wait3A_62 = tpu.memref_slice %arg3[%arg0, %mul3A_12, %dma_wait3A_61] : memref<2x10240x16xf32, #tpu.memory_space<hbm>> -> memref<1x640x16xf32, #tpu.memory_space<hbm>>
      %dma_wait3A_63 = tpu.memref_squeeze %dma_wait3A_62 : memref<1x640x16xf32, #tpu.memory_space<hbm>> -> memref<640x16xf32, #tpu.memory_space<hbm>>
      %dma_wait3A_64 = arith.constant 0 : i32
      %dma_wait3A_65 = tpu.memref_slice %arg11[%mul3A_12, %dma_wait3A_64] : memref<10240x16xf32, #tpu.memory_space<vmem_shared>> -> memref<640x16xf32, #tpu.memory_space<vmem_shared>>
      tpu.wait_dma2 semaphore(%run_scoped3A : memref<!tpu.dma_semaphore, #tpu.memory_space<semaphore_mem>>) src(%dma_wait3A_65 : memref<640x16xf32, #tpu.memory_space<vmem_shared>>) dst(%dma_wait3A_63 : memref<640x16xf32, #tpu.memory_space<hbm>>)
      tpu.yield
    }) : () -> ()
    return
  }
}

#map = affine_map<(d0, d1) -> (0, 0)>
#map1 = affine_map<(d0, d1) -> (0)>
#map2 = affine_map<(d0, d1) -> (0, 0, 0)>
module attributes {stable_mosaic.version = 14 : i64} {
  func.func @_edge_body(%arg0: i32, %arg1: i32, %arg2: memref<10000x128xf32, #tpu.memory_space<hbm>>, %arg3: memref<320000xi32, #tpu.memory_space<hbm>>, %arg4: memref<320000xi32, #tpu.memory_space<hbm>>, %arg5: memref<2x10240x128xf32, #tpu.memory_space<hbm>>, %arg6: memref<64xi32, #tpu.memory_space<vmem>>, %arg7: memref<64xi32, #tpu.memory_space<vmem>>, %arg8: memref<64xi32, #tpu.memory_space<vmem>>, %arg9: memref<64xi32, #tpu.memory_space<vmem>>, %arg10: memref<64xi32, #tpu.memory_space<vmem>>, %arg11: memref<64xi32, #tpu.memory_space<vmem>>, %arg12: memref<64xi32, #tpu.memory_space<vmem>>, %arg13: memref<64xi32, #tpu.memory_space<vmem>>, %arg14: memref<64x128xf32, #tpu.memory_space<vmem>>, %arg15: memref<64x128xf32, #tpu.memory_space<vmem>>, %arg16: memref<64x128xf32, #tpu.memory_space<vmem>>, %arg17: memref<64x128xf32, #tpu.memory_space<vmem>>, %arg18: memref<16xi32, #tpu.memory_space<vmem>>, %arg19: memref<16x128xf32, #tpu.memory_space<vmem>>, %arg20: memref<10240x128xf32, #tpu.memory_space<vmem_shared>>, %arg21: memref<!tpu.dma_semaphore, #tpu.memory_space<semaphore_mem>>, %arg22: memref<!tpu.dma_semaphore, #tpu.memory_space<semaphore_mem>>, %arg23: memref<!tpu.dma_semaphore, #tpu.memory_space<semaphore_mem>>, %arg24: memref<!tpu.dma_semaphore, #tpu.memory_space<semaphore_mem>>, %arg25: memref<!tpu.dma_semaphore, #tpu.memory_space<semaphore_mem>>, %arg26: memref<!tpu.dma_semaphore, #tpu.memory_space<semaphore_mem>>, %arg27: memref<!tpu.dma_semaphore, #tpu.memory_space<semaphore_mem>>, %arg28: memref<!tpu.dma_semaphore, #tpu.memory_space<semaphore_mem>>, %arg29: memref<!tpu.dma_semaphore, #tpu.memory_space<semaphore_mem>>, %arg30: memref<!tpu.dma_semaphore, #tpu.memory_space<semaphore_mem>>, %arg31: memref<!tpu.dma_semaphore, #tpu.memory_space<semaphore_mem>>, %arg32: memref<!tpu.dma_semaphore, #tpu.memory_space<semaphore_mem>>, %arg33: memref<!tpu.dma_semaphore, #tpu.memory_space<semaphore_mem>>) attributes {dimension_semantics = [#tpu.dimension_semantics<core_parallel>, #tpu.dimension_semantics<subcore_parallel>], iteration_bounds = array<i64: 2, 16>, scalar_prefetch = 0 : i64, scratch_operands = 28 : i64, tpu.core_type = #tpu.core_type<sc_vector_subcore>, window_params = [{transform_indices = #map}, {transform_indices = #map1}, {transform_indices = #map1}, {transform_indices = #map2}]} {
    %mul3A = arith.constant 16 : i32
    %mul3A_0 = arith.muli %arg0, %mul3A : i32
    %add3A = arith.addi %mul3A_0, %arg1 : i32
    %mul3A_1 = arith.constant 10000 : i32
    %mul3A_2 = arith.muli %add3A, %mul3A_1 : i32
    %add3A_3 = arith.constant 0 : i32
    %add3A_4 = arith.addi %mul3A_2, %add3A_3 : i32
    %dma_start3A = tpu.memref_slice %arg3[%add3A_4] : memref<320000xi32, #tpu.memory_space<hbm>> -> memref<64xi32, #tpu.memory_space<hbm>>
    %dma_start3A_5 = tpu.memref_slice %arg3[%add3A_4] : memref<320000xi32, #tpu.memory_space<hbm>> -> memref<64xi32, #tpu.memory_space<hbm>>
    tpu.enqueue_dma source(%dma_start3A_5 : memref<64xi32, #tpu.memory_space<hbm>>) target(%arg6 : memref<64xi32, #tpu.memory_space<vmem>>) target_semaphore(%arg21 : memref<!tpu.dma_semaphore, #tpu.memory_space<semaphore_mem>>)
    %dma_start3A_6 = tpu.memref_slice %arg4[%add3A_4] : memref<320000xi32, #tpu.memory_space<hbm>> -> memref<64xi32, #tpu.memory_space<hbm>>
    %dma_start3A_7 = tpu.memref_slice %arg4[%add3A_4] : memref<320000xi32, #tpu.memory_space<hbm>> -> memref<64xi32, #tpu.memory_space<hbm>>
    tpu.enqueue_dma source(%dma_start3A_7 : memref<64xi32, #tpu.memory_space<hbm>>) target(%arg10 : memref<64xi32, #tpu.memory_space<vmem>>) target_semaphore(%arg21 : memref<!tpu.dma_semaphore, #tpu.memory_space<semaphore_mem>>)
    %add3A_8 = arith.constant 64 : i32
    %add3A_9 = arith.addi %mul3A_2, %add3A_8 : i32
    %dma_start3A_10 = tpu.memref_slice %arg3[%add3A_9] : memref<320000xi32, #tpu.memory_space<hbm>> -> memref<64xi32, #tpu.memory_space<hbm>>
    %dma_start3A_11 = tpu.memref_slice %arg3[%add3A_9] : memref<320000xi32, #tpu.memory_space<hbm>> -> memref<64xi32, #tpu.memory_space<hbm>>
    tpu.enqueue_dma source(%dma_start3A_11 : memref<64xi32, #tpu.memory_space<hbm>>) target(%arg7 : memref<64xi32, #tpu.memory_space<vmem>>) target_semaphore(%arg22 : memref<!tpu.dma_semaphore, #tpu.memory_space<semaphore_mem>>)
    %dma_start3A_12 = tpu.memref_slice %arg4[%add3A_9] : memref<320000xi32, #tpu.memory_space<hbm>> -> memref<64xi32, #tpu.memory_space<hbm>>
    %dma_start3A_13 = tpu.memref_slice %arg4[%add3A_9] : memref<320000xi32, #tpu.memory_space<hbm>> -> memref<64xi32, #tpu.memory_space<hbm>>
    tpu.enqueue_dma source(%dma_start3A_13 : memref<64xi32, #tpu.memory_space<hbm>>) target(%arg11 : memref<64xi32, #tpu.memory_space<vmem>>) target_semaphore(%arg22 : memref<!tpu.dma_semaphore, #tpu.memory_space<semaphore_mem>>)
    %scan3A = arith.constant 0 : i32
    %scan3A_14 = arith.constant 0 : i32
    %scan3A_15 = arith.constant 64 : i32
    %scan3A_16 = arith.addi %scan3A_14, %scan3A_15 : i32
    %scan3A_17 = arith.constant 1 : i32
    scf.for %scan3A_123 = %scan3A_14 to %scan3A_16 step %scan3A_17  : i32 {
      %broadcast_in_dim3A = arith.constant 0.000000e+00 : f32
      %broadcast_in_dim3A_124 = vector.broadcast %broadcast_in_dim3A : f32 to vector<16xf32>
      %swap3A = arith.index_cast %scan3A_123 : i32 to index
      %swap3A_125 = arith.constant 0 : index
      %swap3A_126 = tpu.vector_load %arg14[%swap3A, %swap3A_125] {strides = array<i32>} : memref<64x128xf32, #tpu.memory_space<vmem>>, vector<1x16xf32>,
      %swap3A_127 = vector.shape_cast %swap3A_126 : vector<1x16xf32> to vector<16xf32>
      %swap3A_128 = vector.shape_cast %broadcast_in_dim3A_124 : vector<16xf32> to vector<1x16xf32>
      tpu.vector_store %arg14[%swap3A, %swap3A_125], %swap3A_128 {strides = array<i32>} : memref<64x128xf32, #tpu.memory_space<vmem>>, vector<1x16xf32>,
      %broadcast_in_dim3A_129 = arith.constant 0.000000e+00 : f32
      %broadcast_in_dim3A_130 = vector.broadcast %broadcast_in_dim3A_129 : f32 to vector<16xf32>
      %swap3A_131 = arith.index_cast %scan3A_123 : i32 to index
      %swap3A_132 = arith.constant 16 : index
      %swap3A_133 = tpu.vector_load %arg14[%swap3A_131, %swap3A_132] {strides = array<i32>} : memref<64x128xf32, #tpu.memory_space<vmem>>, vector<1x16xf32>,
      %swap3A_134 = vector.shape_cast %swap3A_133 : vector<1x16xf32> to vector<16xf32>
      %swap3A_135 = vector.shape_cast %broadcast_in_dim3A_130 : vector<16xf32> to vector<1x16xf32>
      tpu.vector_store %arg14[%swap3A_131, %swap3A_132], %swap3A_135 {strides = array<i32>} : memref<64x128xf32, #tpu.memory_space<vmem>>, vector<1x16xf32>,
      %broadcast_in_dim3A_136 = arith.constant 0.000000e+00 : f32
      %broadcast_in_dim3A_137 = vector.broadcast %broadcast_in_dim3A_136 : f32 to vector<16xf32>
      %swap3A_138 = arith.index_cast %scan3A_123 : i32 to index
      %swap3A_139 = arith.constant 32 : index
      %swap3A_140 = tpu.vector_load %arg14[%swap3A_138, %swap3A_139] {strides = array<i32>} : memref<64x128xf32, #tpu.memory_space<vmem>>, vector<1x16xf32>,
      %swap3A_141 = vector.shape_cast %swap3A_140 : vector<1x16xf32> to vector<16xf32>
      %swap3A_142 = vector.shape_cast %broadcast_in_dim3A_137 : vector<16xf32> to vector<1x16xf32>
      tpu.vector_store %arg14[%swap3A_138, %swap3A_139], %swap3A_142 {strides = array<i32>} : memref<64x128xf32, #tpu.memory_space<vmem>>, vector<1x16xf32>,
      %broadcast_in_dim3A_143 = arith.constant 0.000000e+00 : f32
      %broadcast_in_dim3A_144 = vector.broadcast %broadcast_in_dim3A_143 : f32 to vector<16xf32>
      %swap3A_145 = arith.index_cast %scan3A_123 : i32 to index
      %swap3A_146 = arith.constant 48 : index
      %swap3A_147 = tpu.vector_load %arg14[%swap3A_145, %swap3A_146] {strides = array<i32>} : memref<64x128xf32, #tpu.memory_space<vmem>>, vector<1x16xf32>,
      %swap3A_148 = vector.shape_cast %swap3A_147 : vector<1x16xf32> to vector<16xf32>
      %swap3A_149 = vector.shape_cast %broadcast_in_dim3A_144 : vector<16xf32> to vector<1x16xf32>
      tpu.vector_store %arg14[%swap3A_145, %swap3A_146], %swap3A_149 {strides = array<i32>} : memref<64x128xf32, #tpu.memory_space<vmem>>, vector<1x16xf32>,
      %broadcast_in_dim3A_150 = arith.constant 0.000000e+00 : f32
      %broadcast_in_dim3A_151 = vector.broadcast %broadcast_in_dim3A_150 : f32 to vector<16xf32>
      %swap3A_152 = arith.index_cast %scan3A_123 : i32 to index
      %swap3A_153 = arith.constant 64 : index
      %swap3A_154 = tpu.vector_load %arg14[%swap3A_152, %swap3A_153] {strides = array<i32>} : memref<64x128xf32, #tpu.memory_space<vmem>>, vector<1x16xf32>,
      %swap3A_155 = vector.shape_cast %swap3A_154 : vector<1x16xf32> to vector<16xf32>
      %swap3A_156 = vector.shape_cast %broadcast_in_dim3A_151 : vector<16xf32> to vector<1x16xf32>
      tpu.vector_store %arg14[%swap3A_152, %swap3A_153], %swap3A_156 {strides = array<i32>} : memref<64x128xf32, #tpu.memory_space<vmem>>, vector<1x16xf32>,
      %broadcast_in_dim3A_157 = arith.constant 0.000000e+00 : f32
      %broadcast_in_dim3A_158 = vector.broadcast %broadcast_in_dim3A_157 : f32 to vector<16xf32>
      %swap3A_159 = arith.index_cast %scan3A_123 : i32 to index
      %swap3A_160 = arith.constant 80 : index
      %swap3A_161 = tpu.vector_load %arg14[%swap3A_159, %swap3A_160] {strides = array<i32>} : memref<64x128xf32, #tpu.memory_space<vmem>>, vector<1x16xf32>,
      %swap3A_162 = vector.shape_cast %swap3A_161 : vector<1x16xf32> to vector<16xf32>
      %swap3A_163 = vector.shape_cast %broadcast_in_dim3A_158 : vector<16xf32> to vector<1x16xf32>
      tpu.vector_store %arg14[%swap3A_159, %swap3A_160], %swap3A_163 {strides = array<i32>} : memref<64x128xf32, #tpu.memory_space<vmem>>, vector<1x16xf32>,
      %broadcast_in_dim3A_164 = arith.constant 0.000000e+00 : f32
      %broadcast_in_dim3A_165 = vector.broadcast %broadcast_in_dim3A_164 : f32 to vector<16xf32>
      %swap3A_166 = arith.index_cast %scan3A_123 : i32 to index
      %swap3A_167 = arith.constant 96 : index
      %swap3A_168 = tpu.vector_load %arg14[%swap3A_166, %swap3A_167] {strides = array<i32>} : memref<64x128xf32, #tpu.memory_space<vmem>>, vector<1x16xf32>,
      %swap3A_169 = vector.shape_cast %swap3A_168 : vector<1x16xf32> to vector<16xf32>
      %swap3A_170 = vector.shape_cast %broadcast_in_dim3A_165 : vector<16xf32> to vector<1x16xf32>
      tpu.vector_store %arg14[%swap3A_166, %swap3A_167], %swap3A_170 {strides = array<i32>} : memref<64x128xf32, #tpu.memory_space<vmem>>, vector<1x16xf32>,
      %broadcast_in_dim3A_171 = arith.constant 0.000000e+00 : f32
      %broadcast_in_dim3A_172 = vector.broadcast %broadcast_in_dim3A_171 : f32 to vector<16xf32>
      %swap3A_173 = arith.index_cast %scan3A_123 : i32 to index
      %swap3A_174 = arith.constant 112 : index
      %swap3A_175 = tpu.vector_load %arg14[%swap3A_173, %swap3A_174] {strides = array<i32>} : memref<64x128xf32, #tpu.memory_space<vmem>>, vector<1x16xf32>,
      %swap3A_176 = vector.shape_cast %swap3A_175 : vector<1x16xf32> to vector<16xf32>
      %swap3A_177 = vector.shape_cast %broadcast_in_dim3A_172 : vector<16xf32> to vector<1x16xf32>
      tpu.vector_store %arg14[%swap3A_173, %swap3A_174], %swap3A_177 {strides = array<i32>} : memref<64x128xf32, #tpu.memory_space<vmem>>, vector<1x16xf32>,
    }
    %scan3A_18 = arith.constant 64 : i32
    %mul3A_19 = arith.constant 640 : i32
    %mul3A_20 = arith.muli %arg1, %mul3A_19 : i32
    %scan3A_21 = arith.constant 0 : i32
    %scan3A_22 = arith.constant 0 : i32
    %scan3A_23 = arith.constant 10 : i32
    %scan3A_24 = arith.addi %scan3A_22, %scan3A_23 : i32
    %scan3A_25 = arith.constant 1 : i32
    scf.for %scan3A_123 = %scan3A_22 to %scan3A_24 step %scan3A_25  : i32 {
      %mul3A_124 = arith.constant 64 : i32
      %mul3A_125 = arith.muli %scan3A_123, %mul3A_124 : i32
      %add3A_126 = arith.addi %mul3A_20, %mul3A_125 : i32
      "tpu.region"() ({
        %run_scoped3A = tpu.sem_alloc : memref<!tpu.dma_semaphore, #tpu.memory_space<semaphore_mem>>
        %dma_start3A_127 = arith.constant 0 : i32
        %dma_start3A_128 = tpu.memref_slice %arg20[%add3A_126, %dma_start3A_127] : memref<10240x128xf32, #tpu.memory_space<vmem_shared>> -> memref<64x128xf32, #tpu.memory_space<vmem_shared>>
        %dma_start3A_129 = arith.constant 0 : i32
        %dma_start3A_130 = tpu.memref_slice %arg20[%add3A_126, %dma_start3A_129] : memref<10240x128xf32, #tpu.memory_space<vmem_shared>> -> memref<64x128xf32, #tpu.memory_space<vmem_shared>>
        tpu.enqueue_dma source(%arg14 : memref<64x128xf32, #tpu.memory_space<vmem>>) target(%dma_start3A_130 : memref<64x128xf32, #tpu.memory_space<vmem_shared>>) target_semaphore(%run_scoped3A : memref<!tpu.dma_semaphore, #tpu.memory_space<semaphore_mem>>)
        %dma_wait3A_131 = arith.constant 0 : i32
        %dma_wait3A_132 = tpu.memref_slice %arg20[%add3A_126, %dma_wait3A_131] : memref<10240x128xf32, #tpu.memory_space<vmem_shared>> -> memref<64x128xf32, #tpu.memory_space<vmem_shared>>
        %dma_wait3A_133 = arith.constant 0 : i32
        %dma_wait3A_134 = tpu.memref_slice %arg20[%add3A_126, %dma_wait3A_133] : memref<10240x128xf32, #tpu.memory_space<vmem_shared>> -> memref<64x128xf32, #tpu.memory_space<vmem_shared>>
        tpu.wait_dma2 semaphore(%run_scoped3A : memref<!tpu.dma_semaphore, #tpu.memory_space<semaphore_mem>>) src(%arg14 : memref<64x128xf32, #tpu.memory_space<vmem>>) dst(%dma_wait3A_134 : memref<64x128xf32, #tpu.memory_space<vmem_shared>>)
        tpu.yield
      }) : () -> ()
    }
    %scan3A_26 = arith.constant 10 : i32
    %barrier3A = arith.constant 0 : index
    tpu.barrier barrier_id(%barrier3A)
    %dma_wait3A = tpu.memref_slice %arg3[%mul3A_2] : memref<320000xi32, #tpu.memory_space<hbm>> -> memref<64xi32, #tpu.memory_space<hbm>>
    %dma_wait3A_27 = tpu.memref_slice %arg3[%mul3A_2] : memref<320000xi32, #tpu.memory_space<hbm>> -> memref<64xi32, #tpu.memory_space<hbm>>
    tpu.wait_dma2 semaphore(%arg21 : memref<!tpu.dma_semaphore, #tpu.memory_space<semaphore_mem>>) src(%dma_wait3A_27 : memref<64xi32, #tpu.memory_space<hbm>>) dst(%arg6 : memref<64xi32, #tpu.memory_space<vmem>>)
    %dma_wait3A_28 = tpu.memref_slice %arg4[%mul3A_2] : memref<320000xi32, #tpu.memory_space<hbm>> -> memref<64xi32, #tpu.memory_space<hbm>>
    %dma_wait3A_29 = tpu.memref_slice %arg4[%mul3A_2] : memref<320000xi32, #tpu.memory_space<hbm>> -> memref<64xi32, #tpu.memory_space<hbm>>
    tpu.wait_dma2 semaphore(%arg21 : memref<!tpu.dma_semaphore, #tpu.memory_space<semaphore_mem>>) src(%dma_wait3A_29 : memref<64xi32, #tpu.memory_space<hbm>>) dst(%arg10 : memref<64xi32, #tpu.memory_space<vmem>>)
    %dma_start3A_30 = arith.constant 0 : i32
    %dma_start3A_31 = arith.constant 0 : i32
    %dma_start3A_32 = tpu.memref_slice %arg2[%dma_start3A_30, %dma_start3A_31] : memref<10000x128xf32, #tpu.memory_space<hbm>> -> memref<10000x128xf32, #tpu.memory_space<hbm>>
    tpu.enqueue_indirect_dma source(%dma_start3A_32 : memref<10000x128xf32, #tpu.memory_space<hbm>>) target(%arg14 : memref<64x128xf32, #tpu.memory_space<vmem>>) offsets(%arg6 : memref<64xi32, #tpu.memory_space<vmem>>) semaphore(%arg25 : memref<!tpu.dma_semaphore, #tpu.memory_space<semaphore_mem>>)
    %scan3A_33 = arith.constant 0 : i32
    %scan3A_34 = arith.constant 0 : i32
    %scan3A_35 = arith.constant 38 : i32
    %scan3A_36 = arith.addi %scan3A_34, %scan3A_35 : i32
    %scan3A_37 = arith.constant 1 : i32
    scf.for %scan3A_123 = %scan3A_34 to %scan3A_36 step %scan3A_37  : i32 {
      %ge3A = arith.constant 1 : i32
      %ge3A_124 = arith.cmpi sge, %scan3A_123, %ge3A : i32
      %convert_element_type3A = arith.extui %ge3A_124 : i1 to i32
      %cond3A = arith.constant 0 : i32
      %cond3A_125 = arith.cmpi ne, %convert_element_type3A, %cond3A : i32
      scf.if %cond3A_125 {
        %dma_wait3A_249 = arith.constant 0 : i32
        %dma_wait3A_250 = arith.constant 0 : i32
        %dma_wait3A_251 = tpu.memref_slice %arg20[%dma_wait3A_249, %dma_wait3A_250] : memref<10240x128xf32, #tpu.memory_space<vmem_shared>> -> memref<10240x128xf32, #tpu.memory_space<vmem_shared>>
        tpu.wait_indirect_dma semaphore(%arg31 : memref<!tpu.dma_semaphore, #tpu.memory_space<semaphore_mem>>) src(%arg16 : memref<64x128xf32, #tpu.memory_space<vmem>>) dst(%dma_wait3A_251 : memref<10240x128xf32, #tpu.memory_space<vmem_shared>>)
      } else {
      }
      %mul3A_126 = arith.constant 4 : i32
      %mul3A_127 = arith.muli %mul3A_126, %scan3A_123 : i32
      %add3A_128 = arith.constant 1 : i32
      %add3A_129 = arith.addi %add3A_128, %mul3A_127 : i32
      %add3A_130 = arith.constant 0 : i32
      %add3A_131 = arith.addi %add3A_129, %add3A_130 : i32
      %add3A_132 = arith.constant 1 : i32
      %add3A_133 = arith.addi %add3A_131, %add3A_132 : i32
      %mul3A_134 = arith.constant 64 : i32
      %mul3A_135 = arith.muli %add3A_133, %mul3A_134 : i32
      %add3A_136 = arith.addi %mul3A_2, %mul3A_135 : i32
      %dma_start3A_137 = tpu.memref_slice %arg3[%add3A_136] : memref<320000xi32, #tpu.memory_space<hbm>> -> memref<64xi32, #tpu.memory_space<hbm>>
      %dma_start3A_138 = tpu.memref_slice %arg3[%add3A_136] : memref<320000xi32, #tpu.memory_space<hbm>> -> memref<64xi32, #tpu.memory_space<hbm>>
      tpu.enqueue_dma source(%dma_start3A_138 : memref<64xi32, #tpu.memory_space<hbm>>) target(%arg8 : memref<64xi32, #tpu.memory_space<vmem>>) target_semaphore(%arg23 : memref<!tpu.dma_semaphore, #tpu.memory_space<semaphore_mem>>)
      %dma_start3A_139 = tpu.memref_slice %arg4[%add3A_136] : memref<320000xi32, #tpu.memory_space<hbm>> -> memref<64xi32, #tpu.memory_space<hbm>>
      %dma_start3A_140 = tpu.memref_slice %arg4[%add3A_136] : memref<320000xi32, #tpu.memory_space<hbm>> -> memref<64xi32, #tpu.memory_space<hbm>>
      tpu.enqueue_dma source(%dma_start3A_140 : memref<64xi32, #tpu.memory_space<hbm>>) target(%arg12 : memref<64xi32, #tpu.memory_space<vmem>>) target_semaphore(%arg23 : memref<!tpu.dma_semaphore, #tpu.memory_space<semaphore_mem>>)
      %dma_wait3A_141 = tpu.memref_slice %arg3[%mul3A_2] : memref<320000xi32, #tpu.memory_space<hbm>> -> memref<64xi32, #tpu.memory_space<hbm>>
      %dma_wait3A_142 = tpu.memref_slice %arg3[%mul3A_2] : memref<320000xi32, #tpu.memory_space<hbm>> -> memref<64xi32, #tpu.memory_space<hbm>>
      tpu.wait_dma2 semaphore(%arg22 : memref<!tpu.dma_semaphore, #tpu.memory_space<semaphore_mem>>) src(%dma_wait3A_142 : memref<64xi32, #tpu.memory_space<hbm>>) dst(%arg7 : memref<64xi32, #tpu.memory_space<vmem>>)
      %dma_wait3A_143 = tpu.memref_slice %arg4[%mul3A_2] : memref<320000xi32, #tpu.memory_space<hbm>> -> memref<64xi32, #tpu.memory_space<hbm>>
      %dma_wait3A_144 = tpu.memref_slice %arg4[%mul3A_2] : memref<320000xi32, #tpu.memory_space<hbm>> -> memref<64xi32, #tpu.memory_space<hbm>>
      tpu.wait_dma2 semaphore(%arg22 : memref<!tpu.dma_semaphore, #tpu.memory_space<semaphore_mem>>) src(%dma_wait3A_144 : memref<64xi32, #tpu.memory_space<hbm>>) dst(%arg11 : memref<64xi32, #tpu.memory_space<vmem>>)
      %dma_start3A_145 = arith.constant 0 : i32
      %dma_start3A_146 = arith.constant 0 : i32
      %dma_start3A_147 = tpu.memref_slice %arg2[%dma_start3A_145, %dma_start3A_146] : memref<10000x128xf32, #tpu.memory_space<hbm>> -> memref<10000x128xf32, #tpu.memory_space<hbm>>
      tpu.enqueue_indirect_dma source(%dma_start3A_147 : memref<10000x128xf32, #tpu.memory_space<hbm>>) target(%arg15 : memref<64x128xf32, #tpu.memory_space<vmem>>) offsets(%arg7 : memref<64xi32, #tpu.memory_space<vmem>>) semaphore(%arg26 : memref<!tpu.dma_semaphore, #tpu.memory_space<semaphore_mem>>)
      %dma_wait3A_148 = arith.constant 0 : i32
      %dma_wait3A_149 = arith.constant 0 : i32
      %dma_wait3A_150 = tpu.memref_slice %arg2[%dma_wait3A_148, %dma_wait3A_149] : memref<10000x128xf32, #tpu.memory_space<hbm>> -> memref<10000x128xf32, #tpu.memory_space<hbm>>
      tpu.wait_indirect_dma semaphore(%arg25 : memref<!tpu.dma_semaphore, #tpu.memory_space<semaphore_mem>>) src(%dma_wait3A_150 : memref<10000x128xf32, #tpu.memory_space<hbm>>) dst(%arg14 : memref<64x128xf32, #tpu.memory_space<vmem>>)
      %dma_start3A_151 = arith.constant 0 : i32
      %dma_start3A_152 = arith.constant 0 : i32
      %dma_start3A_153 = tpu.memref_slice %arg20[%dma_start3A_151, %dma_start3A_152] : memref<10240x128xf32, #tpu.memory_space<vmem_shared>> -> memref<10240x128xf32, #tpu.memory_space<vmem_shared>>
      tpu.enqueue_indirect_dma source(%arg14 : memref<64x128xf32, #tpu.memory_space<vmem>>) target(%dma_start3A_153 : memref<10240x128xf32, #tpu.memory_space<vmem_shared>>) offsets(%arg10 : memref<64xi32, #tpu.memory_space<vmem>>) semaphore(%arg29 : memref<!tpu.dma_semaphore, #tpu.memory_space<semaphore_mem>>) {add = true}
      %ge3A_154 = arith.constant 1 : i32
      %ge3A_155 = arith.cmpi sge, %scan3A_123, %ge3A_154 : i32
      %convert_element_type3A_156 = arith.extui %ge3A_155 : i1 to i32
      %cond3A_157 = arith.constant 0 : i32
      %cond3A_158 = arith.cmpi ne, %convert_element_type3A_156, %cond3A_157 : i32
      scf.if %cond3A_158 {
        %dma_wait3A_249 = arith.constant 0 : i32
        %dma_wait3A_250 = arith.constant 0 : i32
        %dma_wait3A_251 = tpu.memref_slice %arg20[%dma_wait3A_249, %dma_wait3A_250] : memref<10240x128xf32, #tpu.memory_space<vmem_shared>> -> memref<10240x128xf32, #tpu.memory_space<vmem_shared>>
        tpu.wait_indirect_dma semaphore(%arg32 : memref<!tpu.dma_semaphore, #tpu.memory_space<semaphore_mem>>) src(%arg17 : memref<64x128xf32, #tpu.memory_space<vmem>>) dst(%dma_wait3A_251 : memref<10240x128xf32, #tpu.memory_space<vmem_shared>>)
      } else {
      }
      %mul3A_159 = arith.constant 4 : i32
      %mul3A_160 = arith.muli %mul3A_159, %scan3A_123 : i32
      %add3A_161 = arith.constant 1 : i32
      %add3A_162 = arith.addi %add3A_161, %mul3A_160 : i32
      %add3A_163 = arith.constant 1 : i32
      %add3A_164 = arith.addi %add3A_162, %add3A_163 : i32
      %add3A_165 = arith.constant 1 : i32
      %add3A_166 = arith.addi %add3A_164, %add3A_165 : i32
      %mul3A_167 = arith.constant 64 : i32
      %mul3A_168 = arith.muli %add3A_166, %mul3A_167 : i32
      %add3A_169 = arith.addi %mul3A_2, %mul3A_168 : i32
      %dma_start3A_170 = tpu.memref_slice %arg3[%add3A_169] : memref<320000xi32, #tpu.memory_space<hbm>> -> memref<64xi32, #tpu.memory_space<hbm>>
      %dma_start3A_171 = tpu.memref_slice %arg3[%add3A_169] : memref<320000xi32, #tpu.memory_space<hbm>> -> memref<64xi32, #tpu.memory_space<hbm>>
      tpu.enqueue_dma source(%dma_start3A_171 : memref<64xi32, #tpu.memory_space<hbm>>) target(%arg9 : memref<64xi32, #tpu.memory_space<vmem>>) target_semaphore(%arg24 : memref<!tpu.dma_semaphore, #tpu.memory_space<semaphore_mem>>)
      %dma_start3A_172 = tpu.memref_slice %arg4[%add3A_169] : memref<320000xi32, #tpu.memory_space<hbm>> -> memref<64xi32, #tpu.memory_space<hbm>>
      %dma_start3A_173 = tpu.memref_slice %arg4[%add3A_169] : memref<320000xi32, #tpu.memory_space<hbm>> -> memref<64xi32, #tpu.memory_space<hbm>>
      tpu.enqueue_dma source(%dma_start3A_173 : memref<64xi32, #tpu.memory_space<hbm>>) target(%arg13 : memref<64xi32, #tpu.memory_space<vmem>>) target_semaphore(%arg24 : memref<!tpu.dma_semaphore, #tpu.memory_space<semaphore_mem>>)
      %dma_wait3A_174 = tpu.memref_slice %arg3[%mul3A_2] : memref<320000xi32, #tpu.memory_space<hbm>> -> memref<64xi32, #tpu.memory_space<hbm>>
      %dma_wait3A_175 = tpu.memref_slice %arg3[%mul3A_2] : memref<320000xi32, #tpu.memory_space<hbm>> -> memref<64xi32, #tpu.memory_space<hbm>>
      tpu.wait_dma2 semaphore(%arg23 : memref<!tpu.dma_semaphore, #tpu.memory_space<semaphore_mem>>) src(%dma_wait3A_175 : memref<64xi32, #tpu.memory_space<hbm>>) dst(%arg8 : memref<64xi32, #tpu.memory_space<vmem>>)
      %dma_wait3A_176 = tpu.memref_slice %arg4[%mul3A_2] : memref<320000xi32, #tpu.memory_space<hbm>> -> memref<64xi32, #tpu.memory_space<hbm>>
      %dma_wait3A_177 = tpu.memref_slice %arg4[%mul3A_2] : memref<320000xi32, #tpu.memory_space<hbm>> -> memref<64xi32, #tpu.memory_space<hbm>>
      tpu.wait_dma2 semaphore(%arg23 : memref<!tpu.dma_semaphore, #tpu.memory_space<semaphore_mem>>) src(%dma_wait3A_177 : memref<64xi32, #tpu.memory_space<hbm>>) dst(%arg12 : memref<64xi32, #tpu.memory_space<vmem>>)
      %dma_start3A_178 = arith.constant 0 : i32
      %dma_start3A_179 = arith.constant 0 : i32
      %dma_start3A_180 = tpu.memref_slice %arg2[%dma_start3A_178, %dma_start3A_179] : memref<10000x128xf32, #tpu.memory_space<hbm>> -> memref<10000x128xf32, #tpu.memory_space<hbm>>
      tpu.enqueue_indirect_dma source(%dma_start3A_180 : memref<10000x128xf32, #tpu.memory_space<hbm>>) target(%arg16 : memref<64x128xf32, #tpu.memory_space<vmem>>) offsets(%arg8 : memref<64xi32, #tpu.memory_space<vmem>>) semaphore(%arg27 : memref<!tpu.dma_semaphore, #tpu.memory_space<semaphore_mem>>)
      %dma_wait3A_181 = arith.constant 0 : i32
      %dma_wait3A_182 = arith.constant 0 : i32
      %dma_wait3A_183 = tpu.memref_slice %arg2[%dma_wait3A_181, %dma_wait3A_182] : memref<10000x128xf32, #tpu.memory_space<hbm>> -> memref<10000x128xf32, #tpu.memory_space<hbm>>
      tpu.wait_indirect_dma semaphore(%arg26 : memref<!tpu.dma_semaphore, #tpu.memory_space<semaphore_mem>>) src(%dma_wait3A_183 : memref<10000x128xf32, #tpu.memory_space<hbm>>) dst(%arg15 : memref<64x128xf32, #tpu.memory_space<vmem>>)
      %dma_start3A_184 = arith.constant 0 : i32
      %dma_start3A_185 = arith.constant 0 : i32
      %dma_start3A_186 = tpu.memref_slice %arg20[%dma_start3A_184, %dma_start3A_185] : memref<10240x128xf32, #tpu.memory_space<vmem_shared>> -> memref<10240x128xf32, #tpu.memory_space<vmem_shared>>
      tpu.enqueue_indirect_dma source(%arg15 : memref<64x128xf32, #tpu.memory_space<vmem>>) target(%dma_start3A_186 : memref<10240x128xf32, #tpu.memory_space<vmem_shared>>) offsets(%arg11 : memref<64xi32, #tpu.memory_space<vmem>>) semaphore(%arg30 : memref<!tpu.dma_semaphore, #tpu.memory_space<semaphore_mem>>) {add = true}
      %dma_wait3A_187 = arith.constant 0 : i32
      %dma_wait3A_188 = arith.constant 0 : i32
      %dma_wait3A_189 = tpu.memref_slice %arg20[%dma_wait3A_187, %dma_wait3A_188] : memref<10240x128xf32, #tpu.memory_space<vmem_shared>> -> memref<10240x128xf32, #tpu.memory_space<vmem_shared>>
      tpu.wait_indirect_dma semaphore(%arg29 : memref<!tpu.dma_semaphore, #tpu.memory_space<semaphore_mem>>) src(%arg14 : memref<64x128xf32, #tpu.memory_space<vmem>>) dst(%dma_wait3A_189 : memref<10240x128xf32, #tpu.memory_space<vmem_shared>>)
      %mul3A_190 = arith.constant 4 : i32
      %mul3A_191 = arith.muli %mul3A_190, %scan3A_123 : i32
      %add3A_192 = arith.constant 1 : i32
      %add3A_193 = arith.addi %add3A_192, %mul3A_191 : i32
      %add3A_194 = arith.constant 2 : i32
      %add3A_195 = arith.addi %add3A_193, %add3A_194 : i32
      %add3A_196 = arith.constant 1 : i32
      %add3A_197 = arith.addi %add3A_195, %add3A_196 : i32
      %mul3A_198 = arith.constant 64 : i32
      %mul3A_199 = arith.muli %add3A_197, %mul3A_198 : i32
      %add3A_200 = arith.addi %mul3A_2, %mul3A_199 : i32
      %dma_start3A_201 = tpu.memref_slice %arg3[%add3A_200] : memref<320000xi32, #tpu.memory_space<hbm>> -> memref<64xi32, #tpu.memory_space<hbm>>
      %dma_start3A_202 = tpu.memref_slice %arg3[%add3A_200] : memref<320000xi32, #tpu.memory_space<hbm>> -> memref<64xi32, #tpu.memory_space<hbm>>
      tpu.enqueue_dma source(%dma_start3A_202 : memref<64xi32, #tpu.memory_space<hbm>>) target(%arg6 : memref<64xi32, #tpu.memory_space<vmem>>) target_semaphore(%arg21 : memref<!tpu.dma_semaphore, #tpu.memory_space<semaphore_mem>>)
      %dma_start3A_203 = tpu.memref_slice %arg4[%add3A_200] : memref<320000xi32, #tpu.memory_space<hbm>> -> memref<64xi32, #tpu.memory_space<hbm>>
      %dma_start3A_204 = tpu.memref_slice %arg4[%add3A_200] : memref<320000xi32, #tpu.memory_space<hbm>> -> memref<64xi32, #tpu.memory_space<hbm>>
      tpu.enqueue_dma source(%dma_start3A_204 : memref<64xi32, #tpu.memory_space<hbm>>) target(%arg10 : memref<64xi32, #tpu.memory_space<vmem>>) target_semaphore(%arg21 : memref<!tpu.dma_semaphore, #tpu.memory_space<semaphore_mem>>)
      %dma_wait3A_205 = tpu.memref_slice %arg3[%mul3A_2] : memref<320000xi32, #tpu.memory_space<hbm>> -> memref<64xi32, #tpu.memory_space<hbm>>
      %dma_wait3A_206 = tpu.memref_slice %arg3[%mul3A_2] : memref<320000xi32, #tpu.memory_space<hbm>> -> memref<64xi32, #tpu.memory_space<hbm>>
      tpu.wait_dma2 semaphore(%arg24 : memref<!tpu.dma_semaphore, #tpu.memory_space<semaphore_mem>>) src(%dma_wait3A_206 : memref<64xi32, #tpu.memory_space<hbm>>) dst(%arg9 : memref<64xi32, #tpu.memory_space<vmem>>)
      %dma_wait3A_207 = tpu.memref_slice %arg4[%mul3A_2] : memref<320000xi32, #tpu.memory_space<hbm>> -> memref<64xi32, #tpu.memory_space<hbm>>
      %dma_wait3A_208 = tpu.memref_slice %arg4[%mul3A_2] : memref<320000xi32, #tpu.memory_space<hbm>> -> memref<64xi32, #tpu.memory_space<hbm>>
      tpu.wait_dma2 semaphore(%arg24 : memref<!tpu.dma_semaphore, #tpu.memory_space<semaphore_mem>>) src(%dma_wait3A_208 : memref<64xi32, #tpu.memory_space<hbm>>) dst(%arg13 : memref<64xi32, #tpu.memory_space<vmem>>)
      %dma_start3A_209 = arith.constant 0 : i32
      %dma_start3A_210 = arith.constant 0 : i32
      %dma_start3A_211 = tpu.memref_slice %arg2[%dma_start3A_209, %dma_start3A_210] : memref<10000x128xf32, #tpu.memory_space<hbm>> -> memref<10000x128xf32, #tpu.memory_space<hbm>>
      tpu.enqueue_indirect_dma source(%dma_start3A_211 : memref<10000x128xf32, #tpu.memory_space<hbm>>) target(%arg17 : memref<64x128xf32, #tpu.memory_space<vmem>>) offsets(%arg9 : memref<64xi32, #tpu.memory_space<vmem>>) semaphore(%arg28 : memref<!tpu.dma_semaphore, #tpu.memory_space<semaphore_mem>>)
      %dma_wait3A_212 = arith.constant 0 : i32
      %dma_wait3A_213 = arith.constant 0 : i32
      %dma_wait3A_214 = tpu.memref_slice %arg2[%dma_wait3A_212, %dma_wait3A_213] : memref<10000x128xf32, #tpu.memory_space<hbm>> -> memref<10000x128xf32, #tpu.memory_space<hbm>>
      tpu.wait_indirect_dma semaphore(%arg27 : memref<!tpu.dma_semaphore, #tpu.memory_space<semaphore_mem>>) src(%dma_wait3A_214 : memref<10000x128xf32, #tpu.memory_space<hbm>>) dst(%arg16 : memref<64x128xf32, #tpu.memory_space<vmem>>)
      %dma_start3A_215 = arith.constant 0 : i32
      %dma_start3A_216 = arith.constant 0 : i32
      %dma_start3A_217 = tpu.memref_slice %arg20[%dma_start3A_215, %dma_start3A_216] : memref<10240x128xf32, #tpu.memory_space<vmem_shared>> -> memref<10240x128xf32, #tpu.memory_space<vmem_shared>>
      tpu.enqueue_indirect_dma source(%arg16 : memref<64x128xf32, #tpu.memory_space<vmem>>) target(%dma_start3A_217 : memref<10240x128xf32, #tpu.memory_space<vmem_shared>>) offsets(%arg12 : memref<64xi32, #tpu.memory_space<vmem>>) semaphore(%arg31 : memref<!tpu.dma_semaphore, #tpu.memory_space<semaphore_mem>>) {add = true}
      %dma_wait3A_218 = arith.constant 0 : i32
      %dma_wait3A_219 = arith.constant 0 : i32
      %dma_wait3A_220 = tpu.memref_slice %arg20[%dma_wait3A_218, %dma_wait3A_219] : memref<10240x128xf32, #tpu.memory_space<vmem_shared>> -> memref<10240x128xf32, #tpu.memory_space<vmem_shared>>
      tpu.wait_indirect_dma semaphore(%arg30 : memref<!tpu.dma_semaphore, #tpu.memory_space<semaphore_mem>>) src(%arg15 : memref<64x128xf32, #tpu.memory_space<vmem>>) dst(%dma_wait3A_220 : memref<10240x128xf32, #tpu.memory_space<vmem_shared>>)
      %mul3A_221 = arith.constant 4 : i32
      %mul3A_222 = arith.muli %mul3A_221, %scan3A_123 : i32
      %add3A_223 = arith.constant 1 : i32
      %add3A_224 = arith.addi %add3A_223, %mul3A_222 : i32
      %add3A_225 = arith.constant 3 : i32
      %add3A_226 = arith.addi %add3A_224, %add3A_225 : i32
      %add3A_227 = arith.constant 1 : i32
      %add3A_228 = arith.addi %add3A_226, %add3A_227 : i32
      %mul3A_229 = arith.constant 64 : i32
      %mul3A_230 = arith.muli %add3A_228, %mul3A_229 : i32
      %add3A_231 = arith.addi %mul3A_2, %mul3A_230 : i32
      %dma_start3A_232 = tpu.memref_slice %arg3[%add3A_231] : memref<320000xi32, #tpu.memory_space<hbm>> -> memref<64xi32, #tpu.memory_space<hbm>>
      %dma_start3A_233 = tpu.memref_slice %arg3[%add3A_231] : memref<320000xi32, #tpu.memory_space<hbm>> -> memref<64xi32, #tpu.memory_space<hbm>>
      tpu.enqueue_dma source(%dma_start3A_233 : memref<64xi32, #tpu.memory_space<hbm>>) target(%arg7 : memref<64xi32, #tpu.memory_space<vmem>>) target_semaphore(%arg22 : memref<!tpu.dma_semaphore, #tpu.memory_space<semaphore_mem>>)
      %dma_start3A_234 = tpu.memref_slice %arg4[%add3A_231] : memref<320000xi32, #tpu.memory_space<hbm>> -> memref<64xi32, #tpu.memory_space<hbm>>
      %dma_start3A_235 = tpu.memref_slice %arg4[%add3A_231] : memref<320000xi32, #tpu.memory_space<hbm>> -> memref<64xi32, #tpu.memory_space<hbm>>
      tpu.enqueue_dma source(%dma_start3A_235 : memref<64xi32, #tpu.memory_space<hbm>>) target(%arg11 : memref<64xi32, #tpu.memory_space<vmem>>) target_semaphore(%arg22 : memref<!tpu.dma_semaphore, #tpu.memory_space<semaphore_mem>>)
      %dma_wait3A_236 = tpu.memref_slice %arg3[%mul3A_2] : memref<320000xi32, #tpu.memory_space<hbm>> -> memref<64xi32, #tpu.memory_space<hbm>>
      %dma_wait3A_237 = tpu.memref_slice %arg3[%mul3A_2] : memref<320000xi32, #tpu.memory_space<hbm>> -> memref<64xi32, #tpu.memory_space<hbm>>
      tpu.wait_dma2 semaphore(%arg21 : memref<!tpu.dma_semaphore, #tpu.memory_space<semaphore_mem>>) src(%dma_wait3A_237 : memref<64xi32, #tpu.memory_space<hbm>>) dst(%arg6 : memref<64xi32, #tpu.memory_space<vmem>>)
      %dma_wait3A_238 = tpu.memref_slice %arg4[%mul3A_2] : memref<320000xi32, #tpu.memory_space<hbm>> -> memref<64xi32, #tpu.memory_space<hbm>>
      %dma_wait3A_239 = tpu.memref_slice %arg4[%mul3A_2] : memref<320000xi32, #tpu.memory_space<hbm>> -> memref<64xi32, #tpu.memory_space<hbm>>
      tpu.wait_dma2 semaphore(%arg21 : memref<!tpu.dma_semaphore, #tpu.memory_space<semaphore_mem>>) src(%dma_wait3A_239 : memref<64xi32, #tpu.memory_space<hbm>>) dst(%arg10 : memref<64xi32, #tpu.memory_space<vmem>>)
      %dma_start3A_240 = arith.constant 0 : i32
      %dma_start3A_241 = arith.constant 0 : i32
      %dma_start3A_242 = tpu.memref_slice %arg2[%dma_start3A_240, %dma_start3A_241] : memref<10000x128xf32, #tpu.memory_space<hbm>> -> memref<10000x128xf32, #tpu.memory_space<hbm>>
      tpu.enqueue_indirect_dma source(%dma_start3A_242 : memref<10000x128xf32, #tpu.memory_space<hbm>>) target(%arg14 : memref<64x128xf32, #tpu.memory_space<vmem>>) offsets(%arg6 : memref<64xi32, #tpu.memory_space<vmem>>) semaphore(%arg25 : memref<!tpu.dma_semaphore, #tpu.memory_space<semaphore_mem>>)
      %dma_wait3A_243 = arith.constant 0 : i32
      %dma_wait3A_244 = arith.constant 0 : i32
      %dma_wait3A_245 = tpu.memref_slice %arg2[%dma_wait3A_243, %dma_wait3A_244] : memref<10000x128xf32, #tpu.memory_space<hbm>> -> memref<10000x128xf32, #tpu.memory_space<hbm>>
      tpu.wait_indirect_dma semaphore(%arg28 : memref<!tpu.dma_semaphore, #tpu.memory_space<semaphore_mem>>) src(%dma_wait3A_245 : memref<10000x128xf32, #tpu.memory_space<hbm>>) dst(%arg17 : memref<64x128xf32, #tpu.memory_space<vmem>>)
      %dma_start3A_246 = arith.constant 0 : i32
      %dma_start3A_247 = arith.constant 0 : i32
      %dma_start3A_248 = tpu.memref_slice %arg20[%dma_start3A_246, %dma_start3A_247] : memref<10240x128xf32, #tpu.memory_space<vmem_shared>> -> memref<10240x128xf32, #tpu.memory_space<vmem_shared>>
      tpu.enqueue_indirect_dma source(%arg17 : memref<64x128xf32, #tpu.memory_space<vmem>>) target(%dma_start3A_248 : memref<10240x128xf32, #tpu.memory_space<vmem_shared>>) offsets(%arg13 : memref<64xi32, #tpu.memory_space<vmem>>) semaphore(%arg32 : memref<!tpu.dma_semaphore, #tpu.memory_space<semaphore_mem>>) {add = true}
    }
    %scan3A_38 = arith.constant 38 : i32
    %dma_wait3A_39 = arith.constant 0 : i32
    %dma_wait3A_40 = arith.constant 0 : i32
    %dma_wait3A_41 = tpu.memref_slice %arg20[%dma_wait3A_39, %dma_wait3A_40] : memref<10240x128xf32, #tpu.memory_space<vmem_shared>> -> memref<10240x128xf32, #tpu.memory_space<vmem_shared>>
    tpu.wait_indirect_dma semaphore(%arg31 : memref<!tpu.dma_semaphore, #tpu.memory_space<semaphore_mem>>) src(%arg16 : memref<64x128xf32, #tpu.memory_space<vmem>>) dst(%dma_wait3A_41 : memref<10240x128xf32, #tpu.memory_space<vmem_shared>>)
    %add3A_42 = arith.constant 9856 : i32
    %add3A_43 = arith.addi %mul3A_2, %add3A_42 : i32
    %dma_start3A_44 = tpu.memref_slice %arg3[%add3A_43] : memref<320000xi32, #tpu.memory_space<hbm>> -> memref<64xi32, #tpu.memory_space<hbm>>
    %dma_start3A_45 = tpu.memref_slice %arg3[%add3A_43] : memref<320000xi32, #tpu.memory_space<hbm>> -> memref<64xi32, #tpu.memory_space<hbm>>
    tpu.enqueue_dma source(%dma_start3A_45 : memref<64xi32, #tpu.memory_space<hbm>>) target(%arg8 : memref<64xi32, #tpu.memory_space<vmem>>) target_semaphore(%arg23 : memref<!tpu.dma_semaphore, #tpu.memory_space<semaphore_mem>>)
    %dma_start3A_46 = tpu.memref_slice %arg4[%add3A_43] : memref<320000xi32, #tpu.memory_space<hbm>> -> memref<64xi32, #tpu.memory_space<hbm>>
    %dma_start3A_47 = tpu.memref_slice %arg4[%add3A_43] : memref<320000xi32, #tpu.memory_space<hbm>> -> memref<64xi32, #tpu.memory_space<hbm>>
    tpu.enqueue_dma source(%dma_start3A_47 : memref<64xi32, #tpu.memory_space<hbm>>) target(%arg12 : memref<64xi32, #tpu.memory_space<vmem>>) target_semaphore(%arg23 : memref<!tpu.dma_semaphore, #tpu.memory_space<semaphore_mem>>)
    %dma_wait3A_48 = tpu.memref_slice %arg3[%mul3A_2] : memref<320000xi32, #tpu.memory_space<hbm>> -> memref<64xi32, #tpu.memory_space<hbm>>
    %dma_wait3A_49 = tpu.memref_slice %arg3[%mul3A_2] : memref<320000xi32, #tpu.memory_space<hbm>> -> memref<64xi32, #tpu.memory_space<hbm>>
    tpu.wait_dma2 semaphore(%arg22 : memref<!tpu.dma_semaphore, #tpu.memory_space<semaphore_mem>>) src(%dma_wait3A_49 : memref<64xi32, #tpu.memory_space<hbm>>) dst(%arg7 : memref<64xi32, #tpu.memory_space<vmem>>)
    %dma_wait3A_50 = tpu.memref_slice %arg4[%mul3A_2] : memref<320000xi32, #tpu.memory_space<hbm>> -> memref<64xi32, #tpu.memory_space<hbm>>
    %dma_wait3A_51 = tpu.memref_slice %arg4[%mul3A_2] : memref<320000xi32, #tpu.memory_space<hbm>> -> memref<64xi32, #tpu.memory_space<hbm>>
    tpu.wait_dma2 semaphore(%arg22 : memref<!tpu.dma_semaphore, #tpu.memory_space<semaphore_mem>>) src(%dma_wait3A_51 : memref<64xi32, #tpu.memory_space<hbm>>) dst(%arg11 : memref<64xi32, #tpu.memory_space<vmem>>)
    %dma_start3A_52 = arith.constant 0 : i32
    %dma_start3A_53 = arith.constant 0 : i32
    %dma_start3A_54 = tpu.memref_slice %arg2[%dma_start3A_52, %dma_start3A_53] : memref<10000x128xf32, #tpu.memory_space<hbm>> -> memref<10000x128xf32, #tpu.memory_space<hbm>>
    tpu.enqueue_indirect_dma source(%dma_start3A_54 : memref<10000x128xf32, #tpu.memory_space<hbm>>) target(%arg15 : memref<64x128xf32, #tpu.memory_space<vmem>>) offsets(%arg7 : memref<64xi32, #tpu.memory_space<vmem>>) semaphore(%arg26 : memref<!tpu.dma_semaphore, #tpu.memory_space<semaphore_mem>>)
    %dma_wait3A_55 = arith.constant 0 : i32
    %dma_wait3A_56 = arith.constant 0 : i32
    %dma_wait3A_57 = tpu.memref_slice %arg2[%dma_wait3A_55, %dma_wait3A_56] : memref<10000x128xf32, #tpu.memory_space<hbm>> -> memref<10000x128xf32, #tpu.memory_space<hbm>>
    tpu.wait_indirect_dma semaphore(%arg25 : memref<!tpu.dma_semaphore, #tpu.memory_space<semaphore_mem>>) src(%dma_wait3A_57 : memref<10000x128xf32, #tpu.memory_space<hbm>>) dst(%arg14 : memref<64x128xf32, #tpu.memory_space<vmem>>)
    %dma_start3A_58 = arith.constant 0 : i32
    %dma_start3A_59 = arith.constant 0 : i32
    %dma_start3A_60 = tpu.memref_slice %arg20[%dma_start3A_58, %dma_start3A_59] : memref<10240x128xf32, #tpu.memory_space<vmem_shared>> -> memref<10240x128xf32, #tpu.memory_space<vmem_shared>>
    tpu.enqueue_indirect_dma source(%arg14 : memref<64x128xf32, #tpu.memory_space<vmem>>) target(%dma_start3A_60 : memref<10240x128xf32, #tpu.memory_space<vmem_shared>>) offsets(%arg10 : memref<64xi32, #tpu.memory_space<vmem>>) semaphore(%arg29 : memref<!tpu.dma_semaphore, #tpu.memory_space<semaphore_mem>>) {add = true}
    %dma_wait3A_61 = arith.constant 0 : i32
    %dma_wait3A_62 = arith.constant 0 : i32
    %dma_wait3A_63 = tpu.memref_slice %arg20[%dma_wait3A_61, %dma_wait3A_62] : memref<10240x128xf32, #tpu.memory_space<vmem_shared>> -> memref<10240x128xf32, #tpu.memory_space<vmem_shared>>
    tpu.wait_indirect_dma semaphore(%arg32 : memref<!tpu.dma_semaphore, #tpu.memory_space<semaphore_mem>>) src(%arg17 : memref<64x128xf32, #tpu.memory_space<vmem>>) dst(%dma_wait3A_63 : memref<10240x128xf32, #tpu.memory_space<vmem_shared>>)
    %add3A_64 = arith.constant 9920 : i32
    %add3A_65 = arith.addi %mul3A_2, %add3A_64 : i32
    %dma_start3A_66 = tpu.memref_slice %arg3[%add3A_65] : memref<320000xi32, #tpu.memory_space<hbm>> -> memref<64xi32, #tpu.memory_space<hbm>>
    %dma_start3A_67 = tpu.memref_slice %arg3[%add3A_65] : memref<320000xi32, #tpu.memory_space<hbm>> -> memref<64xi32, #tpu.memory_space<hbm>>
    tpu.enqueue_dma source(%dma_start3A_67 : memref<64xi32, #tpu.memory_space<hbm>>) target(%arg9 : memref<64xi32, #tpu.memory_space<vmem>>) target_semaphore(%arg24 : memref<!tpu.dma_semaphore, #tpu.memory_space<semaphore_mem>>)
    %dma_start3A_68 = tpu.memref_slice %arg4[%add3A_65] : memref<320000xi32, #tpu.memory_space<hbm>> -> memref<64xi32, #tpu.memory_space<hbm>>
    %dma_start3A_69 = tpu.memref_slice %arg4[%add3A_65] : memref<320000xi32, #tpu.memory_space<hbm>> -> memref<64xi32, #tpu.memory_space<hbm>>
    tpu.enqueue_dma source(%dma_start3A_69 : memref<64xi32, #tpu.memory_space<hbm>>) target(%arg13 : memref<64xi32, #tpu.memory_space<vmem>>) target_semaphore(%arg24 : memref<!tpu.dma_semaphore, #tpu.memory_space<semaphore_mem>>)
    %dma_wait3A_70 = tpu.memref_slice %arg3[%mul3A_2] : memref<320000xi32, #tpu.memory_space<hbm>> -> memref<64xi32, #tpu.memory_space<hbm>>
    %dma_wait3A_71 = tpu.memref_slice %arg3[%mul3A_2] : memref<320000xi32, #tpu.memory_space<hbm>> -> memref<64xi32, #tpu.memory_space<hbm>>
    tpu.wait_dma2 semaphore(%arg23 : memref<!tpu.dma_semaphore, #tpu.memory_space<semaphore_mem>>) src(%dma_wait3A_71 : memref<64xi32, #tpu.memory_space<hbm>>) dst(%arg8 : memref<64xi32, #tpu.memory_space<vmem>>)
    %dma_wait3A_72 = tpu.memref_slice %arg4[%mul3A_2] : memref<320000xi32, #tpu.memory_space<hbm>> -> memref<64xi32, #tpu.memory_space<hbm>>
    %dma_wait3A_73 = tpu.memref_slice %arg4[%mul3A_2] : memref<320000xi32, #tpu.memory_space<hbm>> -> memref<64xi32, #tpu.memory_space<hbm>>
    tpu.wait_dma2 semaphore(%arg23 : memref<!tpu.dma_semaphore, #tpu.memory_space<semaphore_mem>>) src(%dma_wait3A_73 : memref<64xi32, #tpu.memory_space<hbm>>) dst(%arg12 : memref<64xi32, #tpu.memory_space<vmem>>)
    %dma_start3A_74 = arith.constant 0 : i32
    %dma_start3A_75 = arith.constant 0 : i32
    %dma_start3A_76 = tpu.memref_slice %arg2[%dma_start3A_74, %dma_start3A_75] : memref<10000x128xf32, #tpu.memory_space<hbm>> -> memref<10000x128xf32, #tpu.memory_space<hbm>>
    tpu.enqueue_indirect_dma source(%dma_start3A_76 : memref<10000x128xf32, #tpu.memory_space<hbm>>) target(%arg16 : memref<64x128xf32, #tpu.memory_space<vmem>>) offsets(%arg8 : memref<64xi32, #tpu.memory_space<vmem>>) semaphore(%arg27 : memref<!tpu.dma_semaphore, #tpu.memory_space<semaphore_mem>>)
    %dma_wait3A_77 = arith.constant 0 : i32
    %dma_wait3A_78 = arith.constant 0 : i32
    %dma_wait3A_79 = tpu.memref_slice %arg2[%dma_wait3A_77, %dma_wait3A_78] : memref<10000x128xf32, #tpu.memory_space<hbm>> -> memref<10000x128xf32, #tpu.memory_space<hbm>>
    tpu.wait_indirect_dma semaphore(%arg26 : memref<!tpu.dma_semaphore, #tpu.memory_space<semaphore_mem>>) src(%dma_wait3A_79 : memref<10000x128xf32, #tpu.memory_space<hbm>>) dst(%arg15 : memref<64x128xf32, #tpu.memory_space<vmem>>)
    %dma_start3A_80 = arith.constant 0 : i32
    %dma_start3A_81 = arith.constant 0 : i32
    %dma_start3A_82 = tpu.memref_slice %arg20[%dma_start3A_80, %dma_start3A_81] : memref<10240x128xf32, #tpu.memory_space<vmem_shared>> -> memref<10240x128xf32, #tpu.memory_space<vmem_shared>>
    tpu.enqueue_indirect_dma source(%arg15 : memref<64x128xf32, #tpu.memory_space<vmem>>) target(%dma_start3A_82 : memref<10240x128xf32, #tpu.memory_space<vmem_shared>>) offsets(%arg11 : memref<64xi32, #tpu.memory_space<vmem>>) semaphore(%arg30 : memref<!tpu.dma_semaphore, #tpu.memory_space<semaphore_mem>>) {add = true}
    %dma_wait3A_83 = arith.constant 0 : i32
    %dma_wait3A_84 = arith.constant 0 : i32
    %dma_wait3A_85 = tpu.memref_slice %arg20[%dma_wait3A_83, %dma_wait3A_84] : memref<10240x128xf32, #tpu.memory_space<vmem_shared>> -> memref<10240x128xf32, #tpu.memory_space<vmem_shared>>
    tpu.wait_indirect_dma semaphore(%arg29 : memref<!tpu.dma_semaphore, #tpu.memory_space<semaphore_mem>>) src(%arg14 : memref<64x128xf32, #tpu.memory_space<vmem>>) dst(%dma_wait3A_85 : memref<10240x128xf32, #tpu.memory_space<vmem_shared>>)
    %dma_wait3A_86 = tpu.memref_slice %arg3[%mul3A_2] : memref<320000xi32, #tpu.memory_space<hbm>> -> memref<64xi32, #tpu.memory_space<hbm>>
    %dma_wait3A_87 = tpu.memref_slice %arg3[%mul3A_2] : memref<320000xi32, #tpu.memory_space<hbm>> -> memref<64xi32, #tpu.memory_space<hbm>>
    tpu.wait_dma2 semaphore(%arg24 : memref<!tpu.dma_semaphore, #tpu.memory_space<semaphore_mem>>) src(%dma_wait3A_87 : memref<64xi32, #tpu.memory_space<hbm>>) dst(%arg9 : memref<64xi32, #tpu.memory_space<vmem>>)
    %dma_wait3A_88 = tpu.memref_slice %arg4[%mul3A_2] : memref<320000xi32, #tpu.memory_space<hbm>> -> memref<64xi32, #tpu.memory_space<hbm>>
    %dma_wait3A_89 = tpu.memref_slice %arg4[%mul3A_2] : memref<320000xi32, #tpu.memory_space<hbm>> -> memref<64xi32, #tpu.memory_space<hbm>>
    tpu.wait_dma2 semaphore(%arg24 : memref<!tpu.dma_semaphore, #tpu.memory_space<semaphore_mem>>) src(%dma_wait3A_89 : memref<64xi32, #tpu.memory_space<hbm>>) dst(%arg13 : memref<64xi32, #tpu.memory_space<vmem>>)
    %dma_start3A_90 = arith.constant 0 : i32
    %dma_start3A_91 = arith.constant 0 : i32
    %dma_start3A_92 = tpu.memref_slice %arg2[%dma_start3A_90, %dma_start3A_91] : memref<10000x128xf32, #tpu.memory_space<hbm>> -> memref<10000x128xf32, #tpu.memory_space<hbm>>
    tpu.enqueue_indirect_dma source(%dma_start3A_92 : memref<10000x128xf32, #tpu.memory_space<hbm>>) target(%arg17 : memref<64x128xf32, #tpu.memory_space<vmem>>) offsets(%arg9 : memref<64xi32, #tpu.memory_space<vmem>>) semaphore(%arg28 : memref<!tpu.dma_semaphore, #tpu.memory_space<semaphore_mem>>)
    %dma_wait3A_93 = arith.constant 0 : i32
    %dma_wait3A_94 = arith.constant 0 : i32
    %dma_wait3A_95 = tpu.memref_slice %arg2[%dma_wait3A_93, %dma_wait3A_94] : memref<10000x128xf32, #tpu.memory_space<hbm>> -> memref<10000x128xf32, #tpu.memory_space<hbm>>
    tpu.wait_indirect_dma semaphore(%arg27 : memref<!tpu.dma_semaphore, #tpu.memory_space<semaphore_mem>>) src(%dma_wait3A_95 : memref<10000x128xf32, #tpu.memory_space<hbm>>) dst(%arg16 : memref<64x128xf32, #tpu.memory_space<vmem>>)
    %dma_start3A_96 = arith.constant 0 : i32
    %dma_start3A_97 = arith.constant 0 : i32
    %dma_start3A_98 = tpu.memref_slice %arg20[%dma_start3A_96, %dma_start3A_97] : memref<10240x128xf32, #tpu.memory_space<vmem_shared>> -> memref<10240x128xf32, #tpu.memory_space<vmem_shared>>
    tpu.enqueue_indirect_dma source(%arg16 : memref<64x128xf32, #tpu.memory_space<vmem>>) target(%dma_start3A_98 : memref<10240x128xf32, #tpu.memory_space<vmem_shared>>) offsets(%arg12 : memref<64xi32, #tpu.memory_space<vmem>>) semaphore(%arg31 : memref<!tpu.dma_semaphore, #tpu.memory_space<semaphore_mem>>) {add = true}
    %dma_wait3A_99 = arith.constant 0 : i32
    %dma_wait3A_100 = arith.constant 0 : i32
    %dma_wait3A_101 = tpu.memref_slice %arg2[%dma_wait3A_99, %dma_wait3A_100] : memref<10000x128xf32, #tpu.memory_space<hbm>> -> memref<10000x128xf32, #tpu.memory_space<hbm>>
    tpu.wait_indirect_dma semaphore(%arg28 : memref<!tpu.dma_semaphore, #tpu.memory_space<semaphore_mem>>) src(%dma_wait3A_101 : memref<10000x128xf32, #tpu.memory_space<hbm>>) dst(%arg17 : memref<64x128xf32, #tpu.memory_space<vmem>>)
    %dma_start3A_102 = arith.constant 0 : i32
    %dma_start3A_103 = arith.constant 0 : i32
    %dma_start3A_104 = tpu.memref_slice %arg20[%dma_start3A_102, %dma_start3A_103] : memref<10240x128xf32, #tpu.memory_space<vmem_shared>> -> memref<10240x128xf32, #tpu.memory_space<vmem_shared>>
    tpu.enqueue_indirect_dma source(%arg17 : memref<64x128xf32, #tpu.memory_space<vmem>>) target(%dma_start3A_104 : memref<10240x128xf32, #tpu.memory_space<vmem_shared>>) offsets(%arg13 : memref<64xi32, #tpu.memory_space<vmem>>) semaphore(%arg32 : memref<!tpu.dma_semaphore, #tpu.memory_space<semaphore_mem>>) {add = true}
    %add3A_105 = arith.constant 9984 : i32
    %add3A_106 = arith.addi %mul3A_2, %add3A_105 : i32
    "tpu.region"() ({
      %run_scoped3A = tpu.sem_alloc : memref<!tpu.dma_semaphore, #tpu.memory_space<semaphore_mem>>
      %dma_start3A_123 = tpu.memref_slice %arg3[%add3A_106] : memref<320000xi32, #tpu.memory_space<hbm>> -> memref<16xi32, #tpu.memory_space<hbm>>
      %dma_start3A_124 = tpu.memref_slice %arg3[%add3A_106] : memref<320000xi32, #tpu.memory_space<hbm>> -> memref<16xi32, #tpu.memory_space<hbm>>
      tpu.enqueue_dma source(%dma_start3A_124 : memref<16xi32, #tpu.memory_space<hbm>>) target(%arg18 : memref<16xi32, #tpu.memory_space<vmem>>) target_semaphore(%run_scoped3A : memref<!tpu.dma_semaphore, #tpu.memory_space<semaphore_mem>>)
      %dma_wait3A_125 = tpu.memref_slice %arg3[%add3A_106] : memref<320000xi32, #tpu.memory_space<hbm>> -> memref<16xi32, #tpu.memory_space<hbm>>
      %dma_wait3A_126 = tpu.memref_slice %arg3[%add3A_106] : memref<320000xi32, #tpu.memory_space<hbm>> -> memref<16xi32, #tpu.memory_space<hbm>>
      tpu.wait_dma2 semaphore(%run_scoped3A : memref<!tpu.dma_semaphore, #tpu.memory_space<semaphore_mem>>) src(%dma_wait3A_126 : memref<16xi32, #tpu.memory_space<hbm>>) dst(%arg18 : memref<16xi32, #tpu.memory_space<vmem>>)
      tpu.yield
    }) : () -> ()
    %dma_start3A_107 = arith.constant 0 : i32
    %dma_start3A_108 = arith.constant 0 : i32
    %dma_start3A_109 = tpu.memref_slice %arg2[%dma_start3A_107, %dma_start3A_108] : memref<10000x128xf32, #tpu.memory_space<hbm>> -> memref<10000x128xf32, #tpu.memory_space<hbm>>
    tpu.enqueue_indirect_dma source(%dma_start3A_109 : memref<10000x128xf32, #tpu.memory_space<hbm>>) target(%arg19 : memref<16x128xf32, #tpu.memory_space<vmem>>) offsets(%arg18 : memref<16xi32, #tpu.memory_space<vmem>>) semaphore(%arg33 : memref<!tpu.dma_semaphore, #tpu.memory_space<semaphore_mem>>)
    %dma_wait3A_110 = arith.constant 0 : i32
    %dma_wait3A_111 = arith.constant 0 : i32
    %dma_wait3A_112 = tpu.memref_slice %arg2[%dma_wait3A_110, %dma_wait3A_111] : memref<10000x128xf32, #tpu.memory_space<hbm>> -> memref<10000x128xf32, #tpu.memory_space<hbm>>
    tpu.wait_indirect_dma semaphore(%arg33 : memref<!tpu.dma_semaphore, #tpu.memory_space<semaphore_mem>>) src(%dma_wait3A_112 : memref<10000x128xf32, #tpu.memory_space<hbm>>) dst(%arg19 : memref<16x128xf32, #tpu.memory_space<vmem>>)
    "tpu.region"() ({
      %run_scoped3A = tpu.sem_alloc : memref<!tpu.dma_semaphore, #tpu.memory_space<semaphore_mem>>
      %dma_start3A_123 = tpu.memref_slice %arg4[%add3A_106] : memref<320000xi32, #tpu.memory_space<hbm>> -> memref<16xi32, #tpu.memory_space<hbm>>
      %dma_start3A_124 = tpu.memref_slice %arg4[%add3A_106] : memref<320000xi32, #tpu.memory_space<hbm>> -> memref<16xi32, #tpu.memory_space<hbm>>
      tpu.enqueue_dma source(%dma_start3A_124 : memref<16xi32, #tpu.memory_space<hbm>>) target(%arg18 : memref<16xi32, #tpu.memory_space<vmem>>) target_semaphore(%run_scoped3A : memref<!tpu.dma_semaphore, #tpu.memory_space<semaphore_mem>>)
      %dma_wait3A_125 = tpu.memref_slice %arg4[%add3A_106] : memref<320000xi32, #tpu.memory_space<hbm>> -> memref<16xi32, #tpu.memory_space<hbm>>
      %dma_wait3A_126 = tpu.memref_slice %arg4[%add3A_106] : memref<320000xi32, #tpu.memory_space<hbm>> -> memref<16xi32, #tpu.memory_space<hbm>>
      tpu.wait_dma2 semaphore(%run_scoped3A : memref<!tpu.dma_semaphore, #tpu.memory_space<semaphore_mem>>) src(%dma_wait3A_126 : memref<16xi32, #tpu.memory_space<hbm>>) dst(%arg18 : memref<16xi32, #tpu.memory_space<vmem>>)
      tpu.yield
    }) : () -> ()
    "tpu.region"() ({
      %run_scoped3A = tpu.sem_alloc : memref<!tpu.dma_semaphore, #tpu.memory_space<semaphore_mem>>
      %dma_start3A_123 = arith.constant 0 : i32
      %dma_start3A_124 = arith.constant 0 : i32
      %dma_start3A_125 = tpu.memref_slice %arg20[%dma_start3A_123, %dma_start3A_124] : memref<10240x128xf32, #tpu.memory_space<vmem_shared>> -> memref<10240x128xf32, #tpu.memory_space<vmem_shared>>
      tpu.enqueue_indirect_dma source(%arg19 : memref<16x128xf32, #tpu.memory_space<vmem>>) target(%dma_start3A_125 : memref<10240x128xf32, #tpu.memory_space<vmem_shared>>) offsets(%arg18 : memref<16xi32, #tpu.memory_space<vmem>>) semaphore(%run_scoped3A : memref<!tpu.dma_semaphore, #tpu.memory_space<semaphore_mem>>) {add = true}
      %dma_wait3A_126 = arith.constant 0 : i32
      %dma_wait3A_127 = arith.constant 0 : i32
      %dma_wait3A_128 = tpu.memref_slice %arg20[%dma_wait3A_126, %dma_wait3A_127] : memref<10240x128xf32, #tpu.memory_space<vmem_shared>> -> memref<10240x128xf32, #tpu.memory_space<vmem_shared>>
      tpu.wait_indirect_dma semaphore(%run_scoped3A : memref<!tpu.dma_semaphore, #tpu.memory_space<semaphore_mem>>) src(%arg19 : memref<16x128xf32, #tpu.memory_space<vmem>>) dst(%dma_wait3A_128 : memref<10240x128xf32, #tpu.memory_space<vmem_shared>>)
      tpu.yield
    }) : () -> ()
    %dma_wait3A_113 = arith.constant 0 : i32
    %dma_wait3A_114 = arith.constant 0 : i32
    %dma_wait3A_115 = tpu.memref_slice %arg20[%dma_wait3A_113, %dma_wait3A_114] : memref<10240x128xf32, #tpu.memory_space<vmem_shared>> -> memref<10240x128xf32, #tpu.memory_space<vmem_shared>>
    tpu.wait_indirect_dma semaphore(%arg30 : memref<!tpu.dma_semaphore, #tpu.memory_space<semaphore_mem>>) src(%arg15 : memref<64x128xf32, #tpu.memory_space<vmem>>) dst(%dma_wait3A_115 : memref<10240x128xf32, #tpu.memory_space<vmem_shared>>)
    %dma_wait3A_116 = arith.constant 0 : i32
    %dma_wait3A_117 = arith.constant 0 : i32
    %dma_wait3A_118 = tpu.memref_slice %arg20[%dma_wait3A_116, %dma_wait3A_117] : memref<10240x128xf32, #tpu.memory_space<vmem_shared>> -> memref<10240x128xf32, #tpu.memory_space<vmem_shared>>
    tpu.wait_indirect_dma semaphore(%arg31 : memref<!tpu.dma_semaphore, #tpu.memory_space<semaphore_mem>>) src(%arg16 : memref<64x128xf32, #tpu.memory_space<vmem>>) dst(%dma_wait3A_118 : memref<10240x128xf32, #tpu.memory_space<vmem_shared>>)
    %dma_wait3A_119 = arith.constant 0 : i32
    %dma_wait3A_120 = arith.constant 0 : i32
    %dma_wait3A_121 = tpu.memref_slice %arg20[%dma_wait3A_119, %dma_wait3A_120] : memref<10240x128xf32, #tpu.memory_space<vmem_shared>> -> memref<10240x128xf32, #tpu.memory_space<vmem_shared>>
    tpu.wait_indirect_dma semaphore(%arg32 : memref<!tpu.dma_semaphore, #tpu.memory_space<semaphore_mem>>) src(%arg17 : memref<64x128xf32, #tpu.memory_space<vmem>>) dst(%dma_wait3A_121 : memref<10240x128xf32, #tpu.memory_space<vmem_shared>>)
    %barrier3A_122 = arith.constant 0 : index
    tpu.barrier barrier_id(%barrier3A_122)
    "tpu.region"() ({
      %run_scoped3A = tpu.sem_alloc : memref<!tpu.dma_semaphore, #tpu.memory_space<semaphore_mem>>
      %dma_start3A_123 = arith.constant 0 : i32
      %dma_start3A_124 = tpu.memref_slice %arg5[%arg0, %mul3A_20, %dma_start3A_123] : memref<2x10240x128xf32, #tpu.memory_space<hbm>> -> memref<1x640x128xf32, #tpu.memory_space<hbm>>
      %dma_start3A_125 = tpu.memref_squeeze %dma_start3A_124 : memref<1x640x128xf32, #tpu.memory_space<hbm>> -> memref<640x128xf32, #tpu.memory_space<hbm>>
      %dma_start3A_126 = arith.constant 0 : i32
      %dma_start3A_127 = tpu.memref_slice %arg20[%mul3A_20, %dma_start3A_126] : memref<10240x128xf32, #tpu.memory_space<vmem_shared>> -> memref<640x128xf32, #tpu.memory_space<vmem_shared>>
      tpu.enqueue_dma source(%dma_start3A_127 : memref<640x128xf32, #tpu.memory_space<vmem_shared>>) target(%dma_start3A_125 : memref<640x128xf32, #tpu.memory_space<hbm>>) target_semaphore(%run_scoped3A : memref<!tpu.dma_semaphore, #tpu.memory_space<semaphore_mem>>)
      %dma_wait3A_128 = arith.constant 0 : i32
      %dma_wait3A_129 = tpu.memref_slice %arg5[%arg0, %mul3A_20, %dma_wait3A_128] : memref<2x10240x128xf32, #tpu.memory_space<hbm>> -> memref<1x640x128xf32, #tpu.memory_space<hbm>>
      %dma_wait3A_130 = tpu.memref_squeeze %dma_wait3A_129 : memref<1x640x128xf32, #tpu.memory_space<hbm>> -> memref<640x128xf32, #tpu.memory_space<hbm>>
      %dma_wait3A_131 = arith.constant 0 : i32
      %dma_wait3A_132 = tpu.memref_slice %arg20[%mul3A_20, %dma_wait3A_131] : memref<10240x128xf32, #tpu.memory_space<vmem_shared>> -> memref<640x128xf32, #tpu.memory_space<vmem_shared>>
      tpu.wait_dma2 semaphore(%run_scoped3A : memref<!tpu.dma_semaphore, #tpu.memory_space<semaphore_mem>>) src(%dma_wait3A_132 : memref<640x128xf32, #tpu.memory_space<vmem_shared>>) dst(%dma_wait3A_130 : memref<640x128xf32, #tpu.memory_space<hbm>>)
      tpu.yield
    }) : () -> ()
    return
  }
}

module attributes {stable_mosaic.version = 14 : i64} {
  func.func @_final_body(%arg0: i32, %arg1: memref<2x400x128xf32, #tpu.memory_space<vmem>>, %arg2: memref<400x128xf32, #tpu.memory_space<vmem>>, %arg3: memref<2x400x16xf32, #tpu.memory_space<vmem>>, %arg4: memref<400x128xf32, #tpu.memory_space<vmem>>) attributes {dimension_semantics = [#tpu.dimension_semantics<arbitrary>], iteration_bounds = array<i64: 25>, scalar_prefetch = 0 : i64, scratch_operands = 0 : i64, tpu.core_type = #tpu.core_type<tc>, window_params = [{transform_indices = @transform_0, window_bounds = array<i64: 2, 400, 128>}, {transform_indices = @transform_1, window_bounds = array<i64: 400, 128>}, {transform_indices = @transform_2, window_bounds = array<i64: 2, 400, 16>}, {transform_indices = @transform_3, window_bounds = array<i64: 400, 128>}]} {
    %get3A = arith.constant 0 : index
    %get3A_0 = arith.constant 0 : index
    %get3A_1 = arith.constant 0 : index
    %get3A_2 = vector.load %arg3[%get3A, %get3A_0, %get3A_1] : memref<2x400x16xf32, #tpu.memory_space<vmem>>, vector<1x400x16xf32>
    %get3A_3 = vector.shape_cast %get3A_2 : vector<1x400x16xf32> to vector<400x16xf32>
    %get3A_4 = arith.constant 1 : index
    %get3A_5 = arith.constant 0 : index
    %get3A_6 = arith.constant 0 : index
    %get3A_7 = vector.load %arg3[%get3A_4, %get3A_5, %get3A_6] : memref<2x400x16xf32, #tpu.memory_space<vmem>>, vector<1x400x16xf32>
    %get3A_8 = vector.shape_cast %get3A_7 : vector<1x400x16xf32> to vector<400x16xf32>
    %add3A = arith.addf %get3A_3, %get3A_8 : vector<400x16xf32>
    %slice3A = vector.extract_strided_slice %add3A {offsets = [0, 0], sizes = [400, 1], strides = [1, 1]} : vector<400x16xf32> to vector<400x1xf32>
    %add3A_9 = arith.constant 1.000000e+00 : f32
    %add3A_10 = vector.broadcast %add3A_9 : f32 to vector<400x1xf32>
    %add3A_11 = arith.addf %slice3A, %add3A_10 : vector<400x1xf32>
    %rsqrt3A = math.rsqrt %add3A_11 : vector<400x1xf32>
    %get3A_12 = arith.constant 0 : index
    %get3A_13 = arith.constant 0 : index
    %get3A_14 = arith.constant 0 : index
    %get3A_15 = vector.load %arg1[%get3A_12, %get3A_13, %get3A_14] : memref<2x400x128xf32, #tpu.memory_space<vmem>>, vector<1x400x128xf32>
    %get3A_16 = vector.shape_cast %get3A_15 : vector<1x400x128xf32> to vector<400x128xf32>
    %get3A_17 = arith.constant 1 : index
    %get3A_18 = arith.constant 0 : index
    %get3A_19 = arith.constant 0 : index
    %get3A_20 = vector.load %arg1[%get3A_17, %get3A_18, %get3A_19] : memref<2x400x128xf32, #tpu.memory_space<vmem>>, vector<1x400x128xf32>
    %get3A_21 = vector.shape_cast %get3A_20 : vector<1x400x128xf32> to vector<400x128xf32>
    %add3A_22 = arith.addf %get3A_16, %get3A_21 : vector<400x128xf32>
    %get3A_23 = arith.constant 0 : index
    %get3A_24 = arith.constant 0 : index
    %get3A_25 = vector.load %arg2[%get3A_23, %get3A_24] : memref<400x128xf32, #tpu.memory_space<vmem>>, vector<400x128xf32>
    %add3A_26 = arith.addf %add3A_22, %get3A_25 : vector<400x128xf32>
    %mul3A = vector.broadcast %rsqrt3A : vector<400x1xf32> to vector<400x128xf32>
    %mul3A_27 = arith.mulf %mul3A, %add3A_26 : vector<400x128xf32>
    %swap3A = arith.constant 0 : index
    %swap3A_28 = arith.constant 0 : index
    %swap3A_29 = vector.load %arg4[%swap3A, %swap3A_28] : memref<400x128xf32, #tpu.memory_space<vmem>>, vector<400x128xf32>
    tpu.vector_store %arg4[%swap3A, %swap3A_28], %mul3A_27 {strides = array<i32>} : memref<400x128xf32, #tpu.memory_space<vmem>>, vector<400x128xf32>,
    return
  }
  func.func @transform_0(%arg0: i32) -> (i32, i32, i32) {
    %c0_i32 = arith.constant 0 : i32
    %c0_i32_0 = arith.constant 0 : i32
    %c0_i32_1 = arith.constant 0 : i32
    return %c0_i32, %arg0, %c0_i32_0 : i32, i32, i32
  }
  func.func @transform_1(%arg0: i32) -> (i32, i32) {
    %c0_i32 = arith.constant 0 : i32
    %c0_i32_0 = arith.constant 0 : i32
    return %arg0, %c0_i32 : i32, i32
  }
  func.func @transform_2(%arg0: i32) -> (i32, i32, i32) {
    %c0_i32 = arith.constant 0 : i32
    %c0_i32_0 = arith.constant 0 : i32
    %c0_i32_1 = arith.constant 0 : i32
    return %c0_i32, %arg0, %c0_i32_0 : i32, i32, i32
  }
  func.func @transform_3(%arg0: i32) -> (i32, i32) {
    %c0_i32 = arith.constant 0 : i32
    %c0_i32_0 = arith.constant 0 : i32
    return %arg0, %c0_i32 : i32, i32
  }
}

module attributes {stable_mosaic.version = 14 : i64} {
  func.func @_dense_body(%arg0: i32, %arg1: memref<400x128xf32, #tpu.memory_space<vmem>>, %arg2: memref<128x128xf32, #tpu.memory_space<vmem>>, %arg3: memref<2x400x16xf32, #tpu.memory_space<vmem>>, %arg4: memref<400x128xf32, #tpu.memory_space<vmem>>) attributes {dimension_semantics = [#tpu.dimension_semantics<arbitrary>], iteration_bounds = array<i64: 25>, scalar_prefetch = 0 : i64, scratch_operands = 0 : i64, tpu.core_type = #tpu.core_type<tc>, window_params = [{transform_indices = @transform_0, window_bounds = array<i64: 400, 128>}, {pipeline_mode = #tpu.pipeline_mode<synchronous>, transform_indices = @transform_1, window_bounds = array<i64: 128, 128>}, {transform_indices = @transform_2, window_bounds = array<i64: 2, 400, 16>}, {transform_indices = @transform_3, window_bounds = array<i64: 400, 128>}]} {
    %get3A = arith.constant 0 : index
    %get3A_0 = arith.constant 0 : index
    %get3A_1 = arith.constant 0 : index
    %get3A_2 = vector.load %arg3[%get3A, %get3A_0, %get3A_1] : memref<2x400x16xf32, #tpu.memory_space<vmem>>, vector<1x400x16xf32>
    %get3A_3 = vector.shape_cast %get3A_2 : vector<1x400x16xf32> to vector<400x16xf32>
    %get3A_4 = arith.constant 1 : index
    %get3A_5 = arith.constant 0 : index
    %get3A_6 = arith.constant 0 : index
    %get3A_7 = vector.load %arg3[%get3A_4, %get3A_5, %get3A_6] : memref<2x400x16xf32, #tpu.memory_space<vmem>>, vector<1x400x16xf32>
    %get3A_8 = vector.shape_cast %get3A_7 : vector<1x400x16xf32> to vector<400x16xf32>
    %add3A = arith.addf %get3A_3, %get3A_8 : vector<400x16xf32>
    %slice3A = vector.extract_strided_slice %add3A {offsets = [0, 0], sizes = [400, 1], strides = [1, 1]} : vector<400x16xf32> to vector<400x1xf32>
    %add3A_9 = arith.constant 1.000000e+00 : f32
    %add3A_10 = vector.broadcast %add3A_9 : f32 to vector<400x1xf32>
    %add3A_11 = arith.addf %slice3A, %add3A_10 : vector<400x1xf32>
    %rsqrt3A = math.rsqrt %add3A_11 : vector<400x1xf32>
    %get3A_12 = arith.constant 0 : index
    %get3A_13 = arith.constant 0 : index
    %get3A_14 = vector.load %arg1[%get3A_12, %get3A_13] : memref<400x128xf32, #tpu.memory_space<vmem>>, vector<400x128xf32>
    %get3A_15 = arith.constant 0 : index
    %get3A_16 = arith.constant 0 : index
    %get3A_17 = vector.load %arg2[%get3A_15, %get3A_16] : memref<128x128xf32, #tpu.memory_space<vmem>>, vector<128x128xf32>
    %dot_general3A = arith.constant dense<0.000000e+00> : vector<400x128xf32>
    %dot_general3A_18 = tpu.matmul %get3A_14, %get3A_17, %dot_general3A {dimension_numbers = #tpu.dot_dimension_numbers<[1], [0], [0], [1], [0, 0, 1, 1], [], []>, transpose_lhs_hint = false} : vector<400x128xf32>, vector<128x128xf32>, vector<400x128xf32> -> vector<400x128xf32>
    %mul3A = vector.broadcast %rsqrt3A : vector<400x1xf32> to vector<400x128xf32>
    %mul3A_19 = arith.mulf %mul3A, %dot_general3A_18 : vector<400x128xf32>
    %swap3A = arith.constant 0 : index
    %swap3A_20 = arith.constant 0 : index
    %swap3A_21 = vector.load %arg4[%swap3A, %swap3A_20] : memref<400x128xf32, #tpu.memory_space<vmem>>, vector<400x128xf32>
    tpu.vector_store %arg4[%swap3A, %swap3A_20], %mul3A_19 {strides = array<i32>} : memref<400x128xf32, #tpu.memory_space<vmem>>, vector<400x128xf32>,
    return
  }
  func.func @transform_0(%arg0: i32) -> (i32, i32) {
    %c0_i32 = arith.constant 0 : i32
    %c0_i32_0 = arith.constant 0 : i32
    return %arg0, %c0_i32 : i32, i32
  }
  func.func @transform_1(%arg0: i32) -> (i32, i32) {
    %c0_i32 = arith.constant 0 : i32
    %c0_i32_0 = arith.constant 0 : i32
    %c0_i32_1 = arith.constant 0 : i32
    return %c0_i32, %c0_i32_0 : i32, i32
  }
  func.func @transform_2(%arg0: i32) -> (i32, i32, i32) {
    %c0_i32 = arith.constant 0 : i32
    %c0_i32_0 = arith.constant 0 : i32
    %c0_i32_1 = arith.constant 0 : i32
    return %c0_i32, %arg0, %c0_i32_0 : i32, i32, i32
  }
  func.func @transform_3(%arg0: i32) -> (i32, i32) {
    %c0_i32 = arith.constant 0 : i32
    %c0_i32_0 = arith.constant 0 : i32
    return %arg0, %c0_i32 : i32, i32
  }
}

</mosaic_0001>

<sc_bundles>
// kernel: kernel.6.cloned.1.call-start
scs
__scs_entry_jumppad:
0x0: {  	(pc) =	sbr.rel $0x88, $3  }
0x1: {  	(tag) =	ssettag $0x0;
	lr =	simm.s32 $0x1  }
0x2: {  	[smem:$0x3F9E] =	sst lr;
	_ =	strace $0xD0000000  }
0x3: {  	_ = 	snop  }
0x4: {  	_ = 	snop  }
0x5: {  	_ = 	snop  }
0x6: {  	_ = 	snop  }
0x7: {  	_ = 	snop  }
__scs_overlays_trampoline_lowered:
0x8: {  	[smem:$0x3FAD] =	sst s0  }
0x9: {  	[smem:$0x3FAE] =	sst s1  }
0xa: {  	[smem:$0x3FAF] =	sst s2  }
0xb: {  	[smem:$0x3FB0] =	sst s3  }
0xc: {  	[smem:$0x3FB1] =	sst s4  }
0xd: {  	[smem:$0x3FB2] =	sst s5  }
0xe: {  	[smem:$0x3FB3] =	sst s6  }
0xf: {  	[smem:$0x3FB4] =	sst s7  }
0x10: {  	[smem:$0x3FB5] =	sst s8  }
0x11: {  	[smem:$0x3FB6] =	sst s9;
	s0 =	simm.s32 @!p0 $0x0  }
0x12: {  	s1 =	sld [smem:$0x3F9C];
	s0 =	simm.s32 @p0 $0x1  }
0x13: {  	[smem:$0x3FB7] =	sst s0;
	s0 =	simm.s32 @!p1 $0x0  }
0x14: {  	s2 =	sld [smem:$0x3F9B];
	s0 =	simm.s32 @p1 $0x1  }
0x15: {  	[smem:$0x3FB8] =	sst s0;
	s0 =	simm.s32 @!p2 $0x0  }
0x16: {  	s3 =	sld [smem:$0x3FDB];
	s0 =	simm.s32 @p2 $0x1  }
0x17: {  	s4 =	simm.s32 $0x1BF5;
	[smem:$0x3FBA] =	sst s0  }
0x18: {  	s0 =	sld [smem:$0x3F9D];
	_ =	swait.ge [sflag:s4], $0x0  }
0x19: {  	s7 =	sld [smem:$0x3F9E]  }
0x1a: {  	s8 =	sadd.s32 $0xFFFFE003, lr  }
0x1b: {  	s9 =	sadd.s32 $0xFFFFFEF7, lr;
	s5 =	simm.s32 $0xFFFFFFFF;
	p2 =	slt.u32 s8, $0xFFFFF086  }
0x1c: {  	p1 =	slt.u32 s9, $0xF7A;
	s5 =	simm.s32 @!p2 $0x0  }
0x1d: {  	s5 =	simm.s32 @p1 $0x1;
	p0 =	seq.s32 s7, s2  }
0x1e: {  	s7 =	smul.u32 @!p0 $0xF7A, s2;
	p2 =	seq.s32 @!p0 s5, $0x0  }
0x1f: {  	s9 =	smul.u32 $0xF7A, s1;
	s8 =	simm.s32 @!p0 $0x1BF5;
	p2 =	por !p2, p0  }
0x20: {  	[sflag:s8] =	ssyncset.s32 @!p0 $0xFFFFF086;
	s6 =	sadd.s32 @!p0 s3, s7;
	s7 =	simm.s32 @!p0 $0x108  }
0x21: {  	s3 =	sadd.s32 s3, s9;
	s6 =	sadd.s32 @!p0 $0x88, s6;
	s7 =	simm.s32 @p2 $0x1082  }
0x22: {  	[simem:s7], [sflag:s8] =	dma.local @!p0 [hbm:s6], $0xF7A  }
0x23: {  	s9 =	sor.u32 $0xD0000000, s2;
	s6 =	simm.s32 $0x108;
	_ =	swait.ge @!p0 [sflag:s8], $0x0  }
0x24: {  	s3 =	sadd.s32 $0x88, s3;
	s6 =	simm.s32 @!p1 $0x1082;
	[sflag:s4] =	ssyncset.s32 $0xFFFFF086  }
0x25: {  	[simem:s6], [sflag:s4] =	dma.local [hbm:s3], $0xF7A  }
0x26: {  	[smem:$0x3F9E] =	sst s1;
	(tag) =	ssettag s2;
	_ =	strace s9  }
0x27: {  	s1 =	sld [smem:$0x3FAE]  }
0x28: {  	s2 =	sld [smem:$0x3FAF]  }
0x29: {  	s4 =	sld [smem:$0x3FB1]  }
0x2a: {  	p0 =	seq.s32 s5, $0x0;
	s5 =	sld [smem:$0x3FB2]  }
0x2b: {  	s6 =	sld [smem:$0x3FB3]  }
0x2c: {  	s7 =	sld [smem:$0x3FB4]  }
0x2d: {  	s3 =	simm.s32 $0x108;
	s8 =	sld [smem:$0x3FB5]  }
0x2e: {  	s3 =	simm.s32 @!p0 $0x1082;
	s9 =	sld [smem:$0x3FB6]  }
0x2f: {  	lr =	sadd.s32 s0, s3;
	s0 =	sld [smem:$0x3FAD]  }
0x30: {  	s3 =	sld [smem:$0x3FB0]  }
0x31: {  	[smem:$0x3FB9] =	sst s10  }
0x32: {  	s10 =	sld [smem:$0x3FB7];
	_ =	sdelay $0x3  }
0x33: {  	p0 =	seq.s32 s10, $0x1;
	s10 =	sld [smem:$0x3FB9];
	_ =	sdelay $0x3  }
0x34: {  	[smem:$0x3FB9] =	sst s10  }
0x35: {  	s10 =	sld [smem:$0x3FB8];
	_ =	sdelay $0x3  }
0x36: {  	p1 =	seq.s32 s10, $0x1;
	s10 =	sld [smem:$0x3FB9];
	_ =	sdelay $0x3  }
0x37: {  	[smem:$0x3FB9] =	sst s10  }
0x38: {  	s10 =	sld [smem:$0x3FBA]  }
0x39: {  	_ = 	snop;
	(pc) =	sbr.ind lr, $3  }
0x3a: {  	_ = 	snop  }
0x3b: {  	_ = 	snop  }
0x3c: {  	p2 =	seq.s32 s10, $0x1;
	s10 =	sld [smem:$0x3FB9]  }
0x3d: {  	_ =	shalt  }
0x3e: {  	_ =	shalt  }
0x3f: {  	_ =	shalt  }
0x40: {  	_ =	shalt  }
0x41: {  	_ =	shalt  }
0x42: {  	_ =	shalt  }
0x43: {  	_ =	shalt  }
0x44: {  	_ =	shalt  }
0x45: {  	_ =	shalt  }
0x46: {  	_ =	shalt  }
0x47: {  	_ =	shalt  }
0x48: {  	_ =	shalt  }
0x49: {  	_ =	shalt  }
0x4a: {  	_ =	shalt  }
0x4b: {  	_ =	shalt  }
0x4c: {  	_ =	shalt  }
0x4d: {  	_ =	shalt  }
0x4e: {  	_ =	shalt  }
0x4f: {  	_ =	shalt  }
0x50: {  	_ =	shalt  }
0x51: {  	_ =	shalt  }
0x52: {  	_ =	shalt  }
0x53: {  	_ =	shalt  }
0x54: {  	_ =	shalt  }
0x55: {  	_ =	shalt  }
0x56: {  	_ =	shalt  }
0x57: {  	_ =	shalt  }
0x58: {  	_ =	shalt  }
0x59: {  	_ =	shalt  }
0x5a: {  	_ =	shalt  }
0x5b: {  	_ =	shalt  }
0x5c: {  	_ =	shalt  }
0x5d: {  	_ =	shalt  }
0x5e: {  	_ =	shalt  }
0x5f: {  	_ =	shalt  }
0x60: {  	_ =	shalt  }
0x61: {  	_ =	shalt  }
0x62: {  	_ =	shalt  }
0x63: {  	_ =	shalt  }
0x64: {  	_ =	shalt  }
0x65: {  	_ =	shalt  }
0x66: {  	_ =	shalt  }
0x67: {  	_ =	shalt  }
0x68: {  	_ =	shalt  }
0x69: {  	_ =	shalt  }
0x6a: {  	_ =	shalt  }
0x6b: {  	_ =	shalt  }
0x6c: {  	_ =	shalt  }
0x6d: {  	_ =	shalt  }
0x6e: {  	_ =	shalt  }
0x6f: {  	_ =	shalt  }
0x70: {  	_ =	shalt  }
0x71: {  	_ =	shalt  }
0x72: {  	_ =	shalt  }
0x73: {  	_ =	shalt  }
0x74: {  	_ =	shalt  }
0x75: {  	_ =	shalt  }
0x76: {  	_ =	shalt  }
0x77: {  	_ =	shalt  }
0x78: {  	_ =	shalt  }
0x79: {  	_ =	shalt  }
0x7a: {  	_ =	shalt  }
0x7b: {  	_ =	shalt  }
0x7c: {  	_ =	shalt  }
0x7d: {  	_ =	shalt  }
0x7e: {  	_ =	shalt  }
0x7f: {  	_ =	shalt  }
0x80: {  	_ =	shalt  }
0x81: {  	_ =	shalt  }
0x82: {  	_ =	shalt  }
0x83: {  	_ =	shalt  }
0x84: {  	_ =	shalt  }
0x85: {  	_ =	shalt  }
0x86: {  	_ =	shalt  }
0x87: {  	_ =	shalt  }
.Lfunc_end0:
.L_simem_size_0:
called_computation_lowered:
.L_overlay_start_0:
0x88: {  	s2 =	sld [smem:$0x3FD9]  }
0x89: {  	s3 =	sld [smem:$0x3FFE];
	_ =	sdelay $0x1  }
0x8a: {  	s1 =	srdreg.scid  }
0x8b: {  	s0 =	sand.u32 $0x1, s1  }
0x8c: {  	s16 =	sshll.u32 s0, $0xA;
	s2 =	sadd.s32 s3, s2  }
0x8d: {  	s2 =	sadd.s32 s2, s16  }
0x8e: {  	[smem:$0x3FC5] =	sst s2  }
0x8f: {  	_ = 	snop  }
0x90: {  	(tm) =	ssettm $0x1  }
0x91: {  	s17 =	sld [smem:$0x3FFB];
	_ =	sdelay $0x3  }
0x92: {  	_ =	strace s17  }
0x93: {  	s2 =	sld [smem:$0x3FFC];
	_ =	sdelay $0x3  }
0x94: {  	_ =	strace s2  }
0x95: {  	s2 =	sld [smem:$0x3FFD];
	_ =	sdelay $0x3  }
0x96: {  	_ =	strace s2  }
0x97: {  	_ =	strace $0x8FFFFFFF  }
0x98: {  	s18 =	sld [smem:$0x3FDB];
	_ =	sdelay $0x1  }
0x99: {  	s19 =	simm.s32 $_scs_section_size  }
0x9a: {  	s4 =	simm.s32 $_size__tile_overlayer_lowered;
	s5 =	simm.s32 $_tile_overlayer_lowered  }
0x9b: {  	s22 =	simm.s32 $0x1BFF;
	s21 =	sshll.u32 s5, $0x1;
	s2 =	sadd.s32 s19, s18  }
0x9c: {  	s6 =	simm.s32 $0x0;
	s20 =	sshll.u32 s4, $0x1;
	s4 =	sadd.s32 s21, s2  }
0x9d: {  	[timem:s6], [sflag:s22] =	dma.local [hbm:s4], s20  }
0x9e: {  	_ =	swait.ge [sflag:s22], s20  }
0x9f: {  	s3 =	ssub.s32 $0x0, s20;
	[sflag:s22] =	ssyncset.done $0x0  }
0xa0: {  	[sflag:s22] =	ssyncadd.s32 s3;
	_ =	sdelay $0x1  }
0xa1: {  	s23 =	simm.s32 $0x1B8B  }
0xa2: {  	_ =	swait.ge [sflag:s23], $0x1  }
0xa3: {  	[sflag:s23] =	ssyncset.done $0x0  }
0xa4: {  	s25 =	simm.s32 $0x1B8E;
	s24 =	sld [smem:$0x3FFE];
	[sflag:s23] =	ssyncadd.s32 $0xFFFFFFFF  }
0xa5: {  	s26 =	simm.s32 $execute0_lowered;
	[smem:$0x3FD2] =	sst s25  }
0xa6: {  	s4 =	sshll.u32 s26, $0x1;
	_ =	strace $0x80000046;
	[dreg:$0x1] =	wrdreg $0xFFFFFFFF  }
0xa7: {  	s28 =	simm.s32 $_size_execute0_lowered;
	s2 =	sadd.s32 s2, s4;
	[dreg:$0x0] =	wrdreg $0x0  }
0xa8: {  	s4 =	sshll.u32 s28, $0x1;
	[dreg:$0x2] =	wrdreg s2  }
0xa9: {  	[dreg:$0x3] =	wrdreg s4  }
0xaa: {  	[dreg:$0x4] =	wrdreg $0xC0  }
0xab: {  	_ =	task [dreg:s6], $0x5FFFF  }
0xac: {  	[dreg:$0x1] =	wrdreg $0xFFFFFFFF  }
0xad: {  	[dreg:$0x0] =	wrdreg $0x60  }
0xae: {  	[dreg:$0x2] =	wrdreg s24  }
0xaf: {  	[dreg:$0x3] =	wrdreg $0x82800  }
0xb0: {  	[dreg:$0x4] =	wrdreg $0x9  }
0xb1: {  	_ =	task.clear_ibuf [dreg:s6], $0x5FFFF;
	_ =	strace $0x90000046  }
0xb2: {  	s29 =	simm.s32 $0x9;
	_ =	strace $0x80000048  }
0xb3: {  	_ =	swait.ge [sflag:s29], $0x1  }
0xb4: {  	[sflag:s29] =	ssyncadd.s32 $0xFFFFFFFF  }
0xb5: {  	_ =	strace $0x90000048  }
0xb6: {  	_ =	sfence  }
0xb7: {  	s30 =	sld [smem:$0x0];
	_ =	sdelay $0x2  }
0xb8: {  	s31 =	sshll.u32 s1, $0xD;
	s1 =	sshrl.u32 s1, $0x2  }
0xb9: {  	s3 =	sand.u32 $0x4000, s31;
	s1 =	sadd.s32 s1, s30  }
0xba: {  	s0 =	sor.u32 s3, s0;
	s1 =	sshll.u32 s1, $0x11  }
0xbb: {  	s0 =	sor.u32 s1, s0  }
0xbc: {  	s0 =	sadd.s32 $0x8F2B, s0  }
0xbd: {  	[sflag:s0] =	ssyncadd.remote.s32 $0x1  }
0xbe: {  	_ =	sfence.sel $0xFFFF  }
0xbf: {  	[dreg:$0x0] =	wrdreg $0xFFFFFFFF;
	(pc) =	sbr.abs _section_cstart, $3  }
0xc0: {  	[dreg:$0x1] =	wrdreg $0xFFFFFFFF  }
0xc1: {  	_ =	task.clear_ibuf [dreg:s6], $0x2FFFF;
	_ =	strace $0x9FFFFFFF  }
0xc2: {  	(tm) =	ssettm $0x7FFFFFFF  }
0xc3: {  	_ =	shalt  }
tec
execute0_lowered:
.L_overlay_start_1:
0x0: {  	(tag) =	ssettag $0x1  }
0x1: {  	s0 =	rddreg [dreg:$0x0]  }
0x2: {  	s1 =	rddreg [dreg:$0x1];
	s2 =	srdreg.scid;
	s3 =	simm.s32 $0x0  }
0x3: {  	s9 =	stileid.u32;
	s28 =	simm.s32 $0x100;
	s29 =	simm.s32 $0x2  }
0x4: {  	s30 =	simm.s32 $0x180;
	s31 =	simm.s32 $0x3;
	s5 =	smul.u32 $0x14000, s9  }
0x5: {  	s10 =	simm.s32 $0x0;
	s2 =	sand.u32 $0x1, s2;
	s8 =	smul.u32 $0x50000, s9  }
0x6: {  	[smem:$0x7FF] =	sst s3;
	s7 =	sadd.s32 $0xB000, s0;
	s20 =	smul.u32 $0x2710, s9  }
0x7: {  	s4 =	smul.u32 $0x140000, s2;
	s6 =	sshll.u32 s2, $0x4;
	_ =	strace $0x80000047  }
0x8: {  	s15 =	ssub.s32 $0x2, s2;
	s2 =	smul.u32 $0x27100, s2;
	s6 =	sor.u32 s9, s6  }
0x9: {  	s16 =	sshrl.u32 s15, $0x1;
	s4 =	sadd.s32 s5, s4;
	s14 =	smul.u32 $0x2710, s6  }
0xa: {  	s17 =	sshrl.u32 s8, $0x2;
	s6 =	ssub.s32 s15, s16;
	s4 =	sshrl.u32 s4, $0x3  }
0xb: {  	s6 =	smax.u32 s6, $0x1;
	s0 =	sadd.s32 s4, s0;
	s5 =	sshrl.u32 s14, $0x3  }
0xc: {  	[dreg:$0x6] =	wrdreg s6;
	s4 =	sadd.s32 s7, s5;
	s0 =	sadd.s32 $0x14E00, s0  }
0xd: {  	s8 =	simm.s32 $0x8;
	s18 =	sadd.s32 $0x4D0, s4;
	[dreg:$0x5] =	wrdreg s0  }
0xe: {  	s5 =	sadd.s32 s17, s1;
	s19 =	sadd.s32 $0x4E0, s4;
	[dreg:$0x3] =	wrdreg s18  }
0xf: {  	s9 =	simm.s32 $0x200;
	s21 =	sadd.s32 $0x4000, s5;
	[dreg:$0x4] =	wrdreg s19  }
0x10: {  	s22 =	sadd.s32 $0x8000, s5;
	s23 =	sadd.s32 $0xC000, s5;
	[dreg:$0x7] =	wrdreg s21  }
0x11: {  	s24 =	sadd.s32 $0x10000, s5;
	s0 =	sadd.s32 s20, s2;
	[dreg:$0x8] =	wrdreg s22  }
0x12: {  	s14 =	sadd.s32 $0x10, s4;
	s15 =	sadd.s32 $0x20, s4;
	[dreg:$0x9] =	wrdreg s23  }
0x13: {  	s16 =	sadd.s32 $0x30, s4;
	s17 =	sadd.s32 $0x40, s4;
	[dreg:$0xa] =	wrdreg s24  }
0x14: {  	s2 =	sadd.s32 $0x400, s0;
	s25 =	sadd.s32 $0x380, s0;
	s26 =	sadd.s32 $0x300, s0  }
0x15: {  	s0 =	sadd.s32 $0x280, s0;
	s22 =	simm.s32 $0x4280;
	s23 =	simm.s32 $0x9  }
0x16: {  	s24 =	simm.s32 $0x80;
	s2 =	sshrl.u32 s2, $0x3;
	s6 =	sshrl.u32 s26, $0x3  }
0x17: {  	s0 =	sshrl.u32 s0, $0x3;
	s26 =	simm.s32 $0x280;
	s18 =	sadd.s32 s2, s7  }
0x18: {  	s2 =	sshrl.u32 s25, $0x3;
	s20 =	sadd.s32 s6, s7;
	s21 =	sadd.s32 s0, s7  }
0x19: {  	s25 =	simm.s32 $0x1;
	s0 =	simm.s32 $0x5;
	s6 =	simm.s32 $0x6  }
0x1a: {  	v0 =	vimm.f32 $1.000000000e+00;
	v1 =	vimm.f32 $0.0e+00;
	s19 =	sadd.s32 s2, s7;
	s2 =	simm.s32 $0x4;
	s7 =	simm.s32 $0x7  }
.LBB2_1:
0x1b: {  	[tilespmem:s3], [sflag:$0x1] =	stream.linear.gather [hbm4b:s4+s3], $0x80, $0x38;
	[tilespmem:$0xAA80] =	vst v63  }
0x1c: {  	s11 =	simm.s32 $0x200;
	s12 =	simm.s32 $0x0  }
.LBB2_2:
0x1d: {  	p0 =	sne.s32 s11, $0xFE00;
	[tilespmem:s12+$0x280] =	vst v0;
	s13 =	smov.u32 s11;
	s11 =	sadd.s32 $0x200, s11  }
.Ltmp0:
0x1e: {  	[tilespmem:s12+$0x4280] =	vst v1;
	(pc) =	sbr.rel @p0 .LBB2_2-.Ltmp0, $2  }
0x1f: {  	_ =	sdelay $0x2  }
0x20: {  	s12 =	sshra.s32 s13, $0x2  }
0x21: {  	[tilespmem:s12+$0x280] =	vst v0  }
0x22: {  	[tilespmem:s12+$0x4280] =	vst v1  }
0x23: {  	[spmem:s5] =	stream.linear.scatter [tilespmem:s22], [sflag:$0x9], $0x4000, $0x38;
	[tilespmem:$0xAA80] =	vst v63  }
0x24: {  	_ =	swait.ge [sflag:s23], $0x4000  }
0x25: {  	[sflag:s23] =	ssyncset.done $0x0  }
0x26: {  	s11 =	rddreg [dreg:$0x7];
	[sflag:s23] =	ssyncadd.s32 $0xFFFFC000  }
0x27: {  	[spmem:s11] =	stream.linear.scatter [tilespmem:s22], [sflag:$0x9], $0x4000, $0x38;
	[tilespmem:$0xAA80] =	vst v63  }
0x28: {  	_ =	swait.ge [sflag:s23], $0x4000  }
0x29: {  	[sflag:s23] =	ssyncset.done $0x0  }
0x2a: {  	s12 =	rddreg [dreg:$0x8];
	[sflag:s23] =	ssyncadd.s32 $0xFFFFC000  }
0x2b: {  	[spmem:s12] =	stream.linear.scatter [tilespmem:s22], [sflag:$0x9], $0x4000, $0x38;
	[tilespmem:$0xAA80] =	vst v63  }
0x2c: {  	_ =	swait.ge [sflag:s23], $0x4000  }
0x2d: {  	[sflag:s23] =	ssyncset.done $0x0  }
0x2e: {  	s13 =	rddreg [dreg:$0x9];
	[sflag:s23] =	ssyncadd.s32 $0xFFFFC000  }
0x2f: {  	[spmem:s13] =	stream.linear.scatter [tilespmem:s22], [sflag:$0x9], $0x4000, $0x38;
	[tilespmem:$0xAA80] =	vst v63  }
0x30: {  	_ =	swait.ge [sflag:s23], $0x4000  }
0x31: {  	[sflag:s23] =	ssyncset.done $0x0  }
0x32: {  	s12 =	rddreg [dreg:$0xa];
	[sflag:s23] =	ssyncadd.s32 $0xFFFFC000  }
0x33: {  	[spmem:s12] =	stream.linear.scatter [tilespmem:s22], [sflag:$0x9], $0x4000, $0x38;
	[tilespmem:$0xAA80] =	vst v63  }
0x34: {  	_ =	swait.ge [sflag:s23], $0x4000  }
0x35: {  	[sflag:s23] =	ssyncset.done $0x0  }
0x36: {  	[sflag:s23] =	ssyncadd.s32 $0xFFFFC000  }
0x37: {  	s13 =	simm.s32 $0x0;
	[bflag:$0x0] =	sbarrier.arrive $0xFFFF  }
0x38: {  	[tilespmem:s24], [sflag:$0x2] =	stream.linear.gather [hbm4b:s14+s13], $0x80, $0x38;
	[tilespmem:$0xAA80] =	vst v63  }
0x39: {  	_ =	swait.ge [sflag:s25], $0x80  }
0x3a: {  	[sflag:s25] =	ssyncset.done $0x0  }
0x3b: {  	[sflag:s25] =	ssyncadd.s32 $0xFFFFFF80  }
0x3c: {  	[spmem:s1] =	stream.indirect.scatter.add.f32 [tilespmem:s26], [sflag:$0x5], $0x10, s13, s24, $0xb8;
	[tilespmem:$0xAA80] =	vst v63  }
0x3d: {  	_ = 	snop  }
0x3e: {  	[tilespmem:s28], [sflag:$0x3] =	stream.linear.gather [hbm4b:s15+s13], $0x80, $0x38;
	[tilespmem:$0xAA80] =	vst v63  }
0x3f: {  	_ =	swait.ge [sflag:s29], $0x80  }
0x40: {  	[sflag:s29] =	ssyncset.done $0x0  }
0x41: {  	[sflag:s29] =	ssyncadd.s32 $0xFFFFFF80  }
0x42: {  	[spmem:s1] =	stream.indirect.scatter.add.f32 [tilespmem:s26], [sflag:$0x6], $0x10, s24, s24, $0xb8;
	[tilespmem:$0xAA80] =	vst v63  }
0x43: {  	_ = 	snop  }
0x44: {  	[tilespmem:s30], [sflag:$0x4] =	stream.linear.gather [hbm4b:s16+s13], $0x80, $0x38;
	[tilespmem:$0xAA80] =	vst v63  }
0x45: {  	_ =	swait.ge [sflag:s31], $0x80  }
0x46: {  	[sflag:s31] =	ssyncset.done $0x0  }
0x47: {  	[sflag:s31] =	ssyncadd.s32 $0xFFFFFF80  }
0x48: {  	[spmem:s1] =	stream.indirect.scatter.add.f32 [tilespmem:s26], [sflag:$0x7], $0x10, s28, s24, $0xb8;
	[tilespmem:$0xAA80] =	vst v63  }
0x49: {  	_ =	swait.ge [sflag:s0], $0x800  }
0x4a: {  	[sflag:s0] =	ssyncset.done $0x0  }
0x4b: {  	[sflag:s0] =	ssyncadd.s32 $0xFFFFF800  }
0x4c: {  	[tilespmem:s13], [sflag:$0x1] =	stream.linear.gather [hbm4b:s17+s13], $0x80, $0x38;
	[tilespmem:$0xAA80] =	vst v63  }
0x4d: {  	_ =	swait.ge [sflag:s2], $0x80  }
0x4e: {  	[sflag:s2] =	ssyncset.done $0x0  }
0x4f: {  	[sflag:s2] =	ssyncadd.s32 $0xFFFFFF80  }
0x50: {  	[spmem:s1] =	stream.indirect.scatter.add.f32 [tilespmem:s26], [sflag:$0x8], $0x10, s30, s24, $0xb8;
	[tilespmem:$0xAA80] =	vst v63  }
0x51: {  	_ =	swait.ge [sflag:s6], $0x800  }
0x52: {  	[sflag:s6] =	ssyncset.done $0x0  }
0x53: {  	s12 =	sadd.s32 $0x0, s21;
	[sflag:s6] =	ssyncadd.s32 $0xFFFFF800  }
0x54: {  	[tilespmem:s24], [sflag:$0x2] =	stream.linear.gather [hbm4b:s12+s3], $0x80, $0x38;
	[tilespmem:$0xAA80] =	vst v63  }
0x55: {  	_ =	swait.ge [sflag:s25], $0x80  }
0x56: {  	[sflag:s25] =	ssyncset.done $0x0  }
0x57: {  	[sflag:s25] =	ssyncadd.s32 $0xFFFFFF80  }
0x58: {  	[spmem:s1] =	stream.indirect.scatter.add.f32 [tilespmem:s26], [sflag:$0x5], $0x10, s3, s24, $0xb8;
	[tilespmem:$0xAA80] =	vst v63  }
0x59: {  	_ =	swait.ge [sflag:s7], $0x800  }
0x5a: {  	[sflag:s7] =	ssyncset.done $0x0  }
0x5b: {  	s13 =	sadd.s32 $0x0, s20;
	[sflag:s7] =	ssyncadd.s32 $0xFFFFF800  }
0x5c: {  	[tilespmem:s28], [sflag:$0x3] =	stream.linear.gather [hbm4b:s13+s3], $0x80, $0x38;
	[tilespmem:$0xAA80] =	vst v63  }
0x5d: {  	_ =	swait.ge [sflag:s29], $0x80  }
0x5e: {  	[sflag:s29] =	ssyncset.done $0x0  }
0x5f: {  	[sflag:s29] =	ssyncadd.s32 $0xFFFFFF80  }
0x60: {  	[spmem:s1] =	stream.indirect.scatter.add.f32 [tilespmem:s26], [sflag:$0x6], $0x10, s24, s24, $0xb8;
	[tilespmem:$0xAA80] =	vst v63  }
0x61: {  	_ =	swait.ge [sflag:s8], $0x800  }
0x62: {  	[sflag:s8] =	ssyncset.done $0x0  }
0x63: {  	s12 =	sadd.s32 $0x0, s19;
	[sflag:s8] =	ssyncadd.s32 $0xFFFFF800  }
0x64: {  	[tilespmem:s30], [sflag:$0x4] =	stream.linear.gather [hbm4b:s12+s3], $0x80, $0x38;
	[tilespmem:$0xAA80] =	vst v63  }
0x65: {  	_ =	swait.ge [sflag:s31], $0x80  }
0x66: {  	[sflag:s31] =	ssyncset.done $0x0  }
0x67: {  	[sflag:s31] =	ssyncadd.s32 $0xFFFFFF80  }
0x68: {  	[spmem:s1] =	stream.indirect.scatter.add.f32 [tilespmem:s26], [sflag:$0x7], $0x10, s28, s24, $0xb8;
	[tilespmem:$0xAA80] =	vst v63  }
0x69: {  	_ =	swait.ge [sflag:s0], $0x800  }
0x6a: {  	[sflag:s0] =	ssyncset.done $0x0  }
0x6b: {  	s13 =	sadd.s32 $0x0, s18;
	[sflag:s0] =	ssyncadd.s32 $0xFFFFF800  }
0x6c: {  	[tilespmem:s3], [sflag:$0x1] =	stream.linear.gather [hbm4b:s13+s3], $0x80, $0x38;
	[tilespmem:$0xAA80] =	vst v63  }
0x6d: {  	_ =	swait.ge [sflag:s2], $0x80  }
0x6e: {  	[sflag:s2] =	ssyncset.done $0x0  }
0x6f: {  	s11 =	simm.s32 $0x40;
	[sflag:s2] =	ssyncadd.s32 $0xFFFFFF80  }
.LBB2_4:
0x70: {  	[spmem:s1] =	stream.indirect.scatter.add.f32 [tilespmem:s26], [sflag:$0x8], $0x10, s30, s24, $0xb8;
	[tilespmem:$0xAA80] =	vst v63  }
0x71: {  	s12 =	smov.u32 s11  }
0x72: {  	p0 =	sne.s32 s11, $0x440;
	s11 =	sadd.s32 $0x40, s11;
	_ =	swait.ge [sflag:s6], $0x800  }
0x73: {  	[sflag:s6] =	ssyncset.done $0x0  }
0x74: {  	s13 =	sadd.s32 s12, s21;
	[sflag:s6] =	ssyncadd.s32 $0xFFFFF800  }
0x75: {  	[tilespmem:s24], [sflag:$0x2] =	stream.linear.gather [hbm4b:s13+s3], $0x80, $0x38;
	[tilespmem:$0xAA80] =	vst v63  }
0x76: {  	_ =	swait.ge [sflag:s25], $0x80  }
0x77: {  	[sflag:s25] =	ssyncset.done $0x0  }
0x78: {  	[sflag:s25] =	ssyncadd.s32 $0xFFFFFF80  }
0x79: {  	[spmem:s1] =	stream.indirect.scatter.add.f32 [tilespmem:s26], [sflag:$0x5], $0x10, s3, s24, $0xb8;
	[tilespmem:$0xAA80] =	vst v63  }
0x7a: {  	_ =	swait.ge [sflag:s7], $0x800  }
0x7b: {  	[sflag:s7] =	ssyncset.done $0x0  }
0x7c: {  	s13 =	sadd.s32 s12, s20;
	[sflag:s7] =	ssyncadd.s32 $0xFFFFF800  }
0x7d: {  	[tilespmem:s28], [sflag:$0x3] =	stream.linear.gather [hbm4b:s13+s3], $0x80, $0x38;
	[tilespmem:$0xAA80] =	vst v63  }
0x7e: {  	_ =	swait.ge [sflag:s29], $0x80  }
0x7f: {  	[sflag:s29] =	ssyncset.done $0x0  }
0x80: {  	[sflag:s29] =	ssyncadd.s32 $0xFFFFFF80  }
0x81: {  	[spmem:s1] =	stream.indirect.scatter.add.f32 [tilespmem:s26], [sflag:$0x6], $0x10, s24, s24, $0xb8;
	[tilespmem:$0xAA80] =	vst v63  }
0x82: {  	_ =	swait.ge [sflag:s8], $0x800  }
0x83: {  	[sflag:s8] =	ssyncset.done $0x0  }
0x84: {  	s13 =	sadd.s32 s12, s19;
	[sflag:s8] =	ssyncadd.s32 $0xFFFFF800  }
0x85: {  	[tilespmem:s30], [sflag:$0x4] =	stream.linear.gather [hbm4b:s13+s3], $0x80, $0x38;
	[tilespmem:$0xAA80] =	vst v63  }
0x86: {  	_ =	swait.ge [sflag:s31], $0x80  }
0x87: {  	[sflag:s31] =	ssyncset.done $0x0  }
0x88: {  	[sflag:s31] =	ssyncadd.s32 $0xFFFFFF80  }
0x89: {  	[spmem:s1] =	stream.indirect.scatter.add.f32 [tilespmem:s26], [sflag:$0x7], $0x10, s28, s24, $0xb8;
	[tilespmem:$0xAA80] =	vst v63  }
0x8a: {  	_ =	swait.ge [sflag:s0], $0x800  }
0x8b: {  	[sflag:s0] =	ssyncset.done $0x0  }
.Ltmp1:
0x8c: {  	s12 =	sadd.s32 s12, s18;
	[sflag:s0] =	ssyncadd.s32 $0xFFFFF800;
	(pc) =	sbr.rel @p0 .LBB2_4-.Ltmp1, $4  }
0x8d: {  	[tilespmem:s3], [sflag:$0x1] =	stream.linear.gather [hbm4b:s12+s3], $0x80, $0x38;
	[tilespmem:$0xAA80] =	vst v63  }
0x8e: {  	_ =	swait.ge [sflag:s2], $0x80  }
0x8f: {  	[sflag:s2] =	ssyncset.done $0x0  }
0x90: {  	[sflag:s2] =	ssyncadd.s32 $0xFFFFFF80  }
0x91: {  	[spmem:s1] =	stream.indirect.scatter.add.f32 [tilespmem:s26], [sflag:$0x8], $0x10, s30, s24, $0xb8;
	[tilespmem:$0xAA80] =	vst v63  }
0x92: {  	_ =	swait.ge [sflag:s6], $0x800  }
0x93: {  	[sflag:s6] =	ssyncset.done $0x0  }
0x94: {  	s11 =	rddreg [dreg:$0x3];
	[sflag:s6] =	ssyncadd.s32 $0xFFFFF800  }
0x95: {  	[tilespmem:s24], [sflag:$0x2] =	stream.linear.gather [hbm4b:s11+s3], $0x80, $0x38;
	[tilespmem:$0xAA80] =	vst v63  }
0x96: {  	_ =	swait.ge [sflag:s25], $0x80  }
0x97: {  	[sflag:s25] =	ssyncset.done $0x0  }
0x98: {  	[sflag:s25] =	ssyncadd.s32 $0xFFFFFF80  }
0x99: {  	[spmem:s1] =	stream.indirect.scatter.add.f32 [tilespmem:s26], [sflag:$0x5], $0x10, s3, s24, $0xb8;
	[tilespmem:$0xAA80] =	vst v63  }
0x9a: {  	_ =	swait.ge [sflag:s7], $0x800  }
0x9b: {  	[sflag:s7] =	ssyncset.done $0x0  }
0x9c: {  	[sflag:s7] =	ssyncadd.s32 $0xFFFFF800  }
0x9d: {  	_ =	swait.ge [sflag:s29], $0x80  }
0x9e: {  	[sflag:s29] =	ssyncset.done $0x0  }
0x9f: {  	[sflag:s29] =	ssyncadd.s32 $0xFFFFFF80  }
0xa0: {  	[spmem:s1] =	stream.indirect.scatter.add.f32 [tilespmem:s26], [sflag:$0x6], $0x10, s24, s24, $0xb8;
	[tilespmem:$0xAA80] =	vst v63  }
0xa1: {  	s12 =	rddreg [dreg:$0x4]  }
0xa2: {  	[tilespmem:s9], [sflag:$0x9] =	stream.linear.gather [hbm4b:s12+s3], $0x10, $0x38;
	[tilespmem:$0xAA80] =	vst v63  }
0xa3: {  	_ =	swait.ge [sflag:s23], $0x10  }
0xa4: {  	[sflag:s23] =	ssyncset.done $0x0  }
0xa5: {  	s13 =	simm.s32 $0x10;
	[sflag:s23] =	ssyncadd.s32 $0xFFFFFFF0  }
0xa6: {  	[spmem:s1] =	stream.indirect.scatter.add.f32 [tilespmem:s26], [sflag:$0x9], $0x10, s9, s13, $0xb8;
	[tilespmem:$0xAA80] =	vst v63  }
0xa7: {  	_ =	swait.ge [sflag:s23], $0x100  }
0xa8: {  	[sflag:s23] =	ssyncset.done $0x0  }
0xa9: {  	[sflag:s23] =	ssyncadd.s32 $0xFFFFFF00  }
0xaa: {  	_ =	swait.ge [sflag:s8], $0x800  }
0xab: {  	[sflag:s8] =	ssyncset.done $0x0  }
0xac: {  	[sflag:s8] =	ssyncadd.s32 $0xFFFFF800  }
0xad: {  	_ =	swait.ge [sflag:s0], $0x800  }
0xae: {  	[sflag:s0] =	ssyncset.done $0x0  }
0xaf: {  	[sflag:s0] =	ssyncadd.s32 $0xFFFFF800  }
0xb0: {  	_ =	swait.ge [sflag:s6], $0x800  }
0xb1: {  	[sflag:s6] =	ssyncset.done $0x0  }
0xb2: {  	s12 =	stileid.u32;
	[sflag:s6] =	ssyncadd.s32 $0xFFFFF800  }
0xb3: {  	s11 =	sshll.u32 s12, $0x6;
	[bflag:$0x0] =	sbarrier.arrive $0xFFFF  }
0xb4: {  	s12 =	sshrl.u32 s5, $0x3;
	s11 =	sor.u32 $0x1C09, s11;
	s13 =	rddreg [dreg:$0x5]  }
0xb5: {  	[hbm:s13], [sflag:s11] =	dma.local [spmem:s12], $0x2800  }
0xb6: {  	_ =	swait.ge [sflag:s23], $0x2800  }
0xb7: {  	s10 =	sadd.s32 $0x1, s10;
	s13 =	rddreg [dreg:$0x6]  }
0xb8: {  	p0 =	sne.s32 s10, s13  }
.Ltmp2:
0xb9: {  	_ = 	snop;
	(pc) =	sbr.rel @p0 .LBB2_1-.Ltmp2, $3  }
0xba: {  	_ =	sdelay $0x1  }
0xbb: {  	[sflag:s23] =	ssyncset.done $0x0  }
0xbc: {  	[sflag:s23] =	ssyncadd.s32 $0xFFFFD800  }
0xbd: {  	_ =	sfence.sel $0x180000  }
0xbe: {  	[bflag:$0x0] =	sbarrier.arrive $0xFFFF  }
0xbf: {  	_ =	strace $0x90000047  }
0xc0: {  	s0 =	stileid.u32;
	[bflag:$0x2] =	sbarrier.arrive $0xFFFF  }
0xc1: {  	p0 =	sne.s32 s0, $0x0;
	s0 =	rddreg [dreg:$0x2]  }
0xc2: {  	s0 =	sadd.s32 @!p0 $0x100000, s0  }
0xc3: {  	[sflag:s0] =	ssyncadd.tile.s32 @!p0 $0x1;
	_ =	shalt  }
.Lfunc_end2:
_tile_overlayer_lowered:
.L_overlay_start_2:
0xc4: {  	(tag) =	ssettag $0x2  }
0xc5: {  	s0 =	rddreg [dreg:$0x0];
	s2 =	stileid.u32  }
0xc6: {  	s1 =	rddreg [dreg:$0x1];
	p0 =	sne.s32 s2, $0x0  }
0xc7: {  	s3 =	rddreg [dreg:$0x2];
	[bflag:$0x3] =	sbarrier.arrive $0xFFFF;
	s2 =	simm.s32 @!p0 $0x1C09  }
0xc8: {  	[timem:s3], [sflag:s2] =	dma.local @!p0 [hbm:s0], s1  }
0xc9: {  	s0 =	simm.s32 @!p0 $0x9  }
0xca: {  	_ =	swait.ge @!p0 [sflag:s0], s1  }
0xcb: {  	s1 =	ssub.s32 @!p0 $0x0, s1;
	[sflag:s0] =	ssyncset.done @!p0 $0x0  }
0xcc: {  	[sflag:s0] =	ssyncadd.s32 @!p0 s1  }
0xcd: {  	[bflag:$0x3] =	sbarrier.arrive $0xFFFF  }
0xce: {  	_ =	shalt  }

// kernel: kernel.9.cloned.1.call-start
scs
__scs_entry_jumppad:
0x0: {  	(pc) =	sbr.rel $0x88, $3  }
0x1: {  	(tag) =	ssettag $0x0;
	lr =	simm.s32 $0x1  }
0x2: {  	[smem:$0x3F9E] =	sst lr;
	_ =	strace $0xD0000000  }
0x3: {  	_ = 	snop  }
0x4: {  	_ = 	snop  }
0x5: {  	_ = 	snop  }
0x6: {  	_ = 	snop  }
0x7: {  	_ = 	snop  }
__scs_overlays_trampoline_lowered:
0x8: {  	[smem:$0x3FAD] =	sst s0  }
0x9: {  	[smem:$0x3FAE] =	sst s1  }
0xa: {  	[smem:$0x3FAF] =	sst s2  }
0xb: {  	[smem:$0x3FB0] =	sst s3  }
0xc: {  	[smem:$0x3FB1] =	sst s4  }
0xd: {  	[smem:$0x3FB2] =	sst s5  }
0xe: {  	[smem:$0x3FB3] =	sst s6  }
0xf: {  	[smem:$0x3FB4] =	sst s7  }
0x10: {  	[smem:$0x3FB5] =	sst s8  }
0x11: {  	[smem:$0x3FB6] =	sst s9;
	s0 =	simm.s32 @!p0 $0x0  }
0x12: {  	s1 =	sld [smem:$0x3F9C];
	s0 =	simm.s32 @p0 $0x1  }
0x13: {  	[smem:$0x3FB7] =	sst s0;
	s0 =	simm.s32 @!p1 $0x0  }
0x14: {  	s2 =	sld [smem:$0x3F9B];
	s0 =	simm.s32 @p1 $0x1  }
0x15: {  	[smem:$0x3FB8] =	sst s0;
	s0 =	simm.s32 @!p2 $0x0  }
0x16: {  	s3 =	sld [smem:$0x3FDB];
	s0 =	simm.s32 @p2 $0x1  }
0x17: {  	s4 =	simm.s32 $0x1BF5;
	[smem:$0x3FBA] =	sst s0  }
0x18: {  	s0 =	sld [smem:$0x3F9D];
	_ =	swait.ge [sflag:s4], $0x0  }
0x19: {  	s7 =	sld [smem:$0x3F9E]  }
0x1a: {  	s8 =	sadd.s32 $0xFFFFE003, lr  }
0x1b: {  	s9 =	sadd.s32 $0xFFFFFEF7, lr;
	s5 =	simm.s32 $0xFFFFFFFF;
	p2 =	slt.u32 s8, $0xFFFFF086  }
0x1c: {  	p1 =	slt.u32 s9, $0xF7A;
	s5 =	simm.s32 @!p2 $0x0  }
0x1d: {  	s5 =	simm.s32 @p1 $0x1;
	p0 =	seq.s32 s7, s2  }
0x1e: {  	s7 =	smul.u32 @!p0 $0xF7A, s2;
	p2 =	seq.s32 @!p0 s5, $0x0  }
0x1f: {  	s9 =	smul.u32 $0xF7A, s1;
	s8 =	simm.s32 @!p0 $0x1BF5;
	p2 =	por !p2, p0  }
0x20: {  	[sflag:s8] =	ssyncset.s32 @!p0 $0xFFFFF086;
	s6 =	sadd.s32 @!p0 s3, s7;
	s7 =	simm.s32 @!p0 $0x108  }
0x21: {  	s3 =	sadd.s32 s3, s9;
	s6 =	sadd.s32 @!p0 $0x88, s6;
	s7 =	simm.s32 @p2 $0x1082  }
0x22: {  	[simem:s7], [sflag:s8] =	dma.local @!p0 [hbm:s6], $0xF7A  }
0x23: {  	s9 =	sor.u32 $0xD0000000, s2;
	s6 =	simm.s32 $0x108;
	_ =	swait.ge @!p0 [sflag:s8], $0x0  }
0x24: {  	s3 =	sadd.s32 $0x88, s3;
	s6 =	simm.s32 @!p1 $0x1082;
	[sflag:s4] =	ssyncset.s32 $0xFFFFF086  }
0x25: {  	[simem:s6], [sflag:s4] =	dma.local [hbm:s3], $0xF7A  }
0x26: {  	[smem:$0x3F9E] =	sst s1;
	(tag) =	ssettag s2;
	_ =	strace s9  }
0x27: {  	s1 =	sld [smem:$0x3FAE]  }
0x28: {  	s2 =	sld [smem:$0x3FAF]  }
0x29: {  	s4 =	sld [smem:$0x3FB1]  }
0x2a: {  	p0 =	seq.s32 s5, $0x0;
	s5 =	sld [smem:$0x3FB2]  }
0x2b: {  	s6 =	sld [smem:$0x3FB3]  }
0x2c: {  	s7 =	sld [smem:$0x3FB4]  }
0x2d: {  	s3 =	simm.s32 $0x108;
	s8 =	sld [smem:$0x3FB5]  }
0x2e: {  	s3 =	simm.s32 @!p0 $0x1082;
	s9 =	sld [smem:$0x3FB6]  }
0x2f: {  	lr =	sadd.s32 s0, s3;
	s0 =	sld [smem:$0x3FAD]  }
0x30: {  	s3 =	sld [smem:$0x3FB0]  }
0x31: {  	[smem:$0x3FB9] =	sst s10  }
0x32: {  	s10 =	sld [smem:$0x3FB7];
	_ =	sdelay $0x3  }
0x33: {  	p0 =	seq.s32 s10, $0x1;
	s10 =	sld [smem:$0x3FB9];
	_ =	sdelay $0x3  }
0x34: {  	[smem:$0x3FB9] =	sst s10  }
0x35: {  	s10 =	sld [smem:$0x3FB8];
	_ =	sdelay $0x3  }
0x36: {  	p1 =	seq.s32 s10, $0x1;
	s10 =	sld [smem:$0x3FB9];
	_ =	sdelay $0x3  }
0x37: {  	[smem:$0x3FB9] =	sst s10  }
0x38: {  	s10 =	sld [smem:$0x3FBA]  }
0x39: {  	_ = 	snop;
	(pc) =	sbr.ind lr, $3  }
0x3a: {  	_ = 	snop  }
0x3b: {  	_ = 	snop  }
0x3c: {  	p2 =	seq.s32 s10, $0x1;
	s10 =	sld [smem:$0x3FB9]  }
0x3d: {  	_ =	shalt  }
0x3e: {  	_ =	shalt  }
0x3f: {  	_ =	shalt  }
0x40: {  	_ =	shalt  }
0x41: {  	_ =	shalt  }
0x42: {  	_ =	shalt  }
0x43: {  	_ =	shalt  }
0x44: {  	_ =	shalt  }
0x45: {  	_ =	shalt  }
0x46: {  	_ =	shalt  }
0x47: {  	_ =	shalt  }
0x48: {  	_ =	shalt  }
0x49: {  	_ =	shalt  }
0x4a: {  	_ =	shalt  }
0x4b: {  	_ =	shalt  }
0x4c: {  	_ =	shalt  }
0x4d: {  	_ =	shalt  }
0x4e: {  	_ =	shalt  }
0x4f: {  	_ =	shalt  }
0x50: {  	_ =	shalt  }
0x51: {  	_ =	shalt  }
0x52: {  	_ =	shalt  }
0x53: {  	_ =	shalt  }
0x54: {  	_ =	shalt  }
0x55: {  	_ =	shalt  }
0x56: {  	_ =	shalt  }
0x57: {  	_ =	shalt  }
0x58: {  	_ =	shalt  }
0x59: {  	_ =	shalt  }
0x5a: {  	_ =	shalt  }
0x5b: {  	_ =	shalt  }
0x5c: {  	_ =	shalt  }
0x5d: {  	_ =	shalt  }
0x5e: {  	_ =	shalt  }
0x5f: {  	_ =	shalt  }
0x60: {  	_ =	shalt  }
0x61: {  	_ =	shalt  }
0x62: {  	_ =	shalt  }
0x63: {  	_ =	shalt  }
0x64: {  	_ =	shalt  }
0x65: {  	_ =	shalt  }
0x66: {  	_ =	shalt  }
0x67: {  	_ =	shalt  }
0x68: {  	_ =	shalt  }
0x69: {  	_ =	shalt  }
0x6a: {  	_ =	shalt  }
0x6b: {  	_ =	shalt  }
0x6c: {  	_ =	shalt  }
0x6d: {  	_ =	shalt  }
0x6e: {  	_ =	shalt  }
0x6f: {  	_ =	shalt  }
0x70: {  	_ =	shalt  }
0x71: {  	_ =	shalt  }
0x72: {  	_ =	shalt  }
0x73: {  	_ =	shalt  }
0x74: {  	_ =	shalt  }
0x75: {  	_ =	shalt  }
0x76: {  	_ =	shalt  }
0x77: {  	_ =	shalt  }
0x78: {  	_ =	shalt  }
0x79: {  	_ =	shalt  }
0x7a: {  	_ =	shalt  }
0x7b: {  	_ =	shalt  }
0x7c: {  	_ =	shalt  }
0x7d: {  	_ =	shalt  }
0x7e: {  	_ =	shalt  }
0x7f: {  	_ =	shalt  }
0x80: {  	_ =	shalt  }
0x81: {  	_ =	shalt  }
0x82: {  	_ =	shalt  }
0x83: {  	_ =	shalt  }
0x84: {  	_ =	shalt  }
0x85: {  	_ =	shalt  }
0x86: {  	_ =	shalt  }
0x87: {  	_ =	shalt  }
.Lfunc_end0:
.L_simem_size_0:
called_computation.1_lowered:
.L_overlay_start_0:
0x88: {  	s2 =	sld [smem:$0x3FD9]  }
0x89: {  	s3 =	sld [smem:$0x3FFE];
	_ =	sdelay $0x1  }
0x8a: {  	s1 =	srdreg.scid  }
0x8b: {  	s0 =	sand.u32 $0x1, s1  }
0x8c: {  	s17 =	sshll.u32 s0, $0xA;
	s2 =	sadd.s32 s3, s2  }
0x8d: {  	s2 =	sadd.s32 s2, s17  }
0x8e: {  	[smem:$0x3FC5] =	sst s2  }
0x8f: {  	_ = 	snop  }
0x90: {  	s2 =	sld [smem:$0x3FD0];
	(tm) =	ssettm $0x1  }
0x91: {  	s18 =	sld [smem:$0x3FFB];
	_ =	sdelay $0x3  }
0x92: {  	_ =	strace s18  }
0x93: {  	s3 =	sld [smem:$0x3FFC];
	_ =	sdelay $0x3  }
0x94: {  	_ =	strace s3  }
0x95: {  	s3 =	sld [smem:$0x3FFD];
	_ =	sdelay $0x3  }
0x96: {  	_ =	strace s3  }
0x97: {  	_ =	strace $0x8FFFFFFF  }
0x98: {  	s19 =	sld [smem:$0x3FDB];
	_ =	sdelay $0x1  }
0x99: {  	s4 =	simm.s32 $_scs_section_size  }
0x9a: {  	s5 =	simm.s32 $_size__tile_overlayer_lowered;
	s6 =	simm.s32 $_tile_overlayer_lowered  }
0x9b: {  	s22 =	simm.s32 $0x1BFF;
	s21 =	sshll.u32 s6, $0x1;
	s3 =	sadd.s32 s4, s19  }
0x9c: {  	s7 =	simm.s32 $0x0;
	s20 =	sshll.u32 s5, $0x1;
	s5 =	sadd.s32 s21, s3  }
0x9d: {  	[timem:s7], [sflag:s22] =	dma.local [hbm:s5], s20  }
0x9e: {  	_ =	swait.ge [sflag:s22], s20  }
0x9f: {  	s4 =	ssub.s32 $0x0, s20;
	[sflag:s22] =	ssyncset.done $0x0  }
0xa0: {  	[sflag:s22] =	ssyncadd.s32 s4;
	_ =	sdelay $0x1  }
0xa1: {  	s23 =	simm.s32 $0x1B8B  }
0xa2: {  	_ =	swait.ge [sflag:s23], $0x1  }
0xa3: {  	[sflag:s23] =	ssyncset.done $0x0  }
0xa4: {  	s25 =	simm.s32 $0x1B8E;
	s24 =	sld [smem:$0x3FFE];
	[sflag:s23] =	ssyncadd.s32 $0xFFFFFFFF  }
0xa5: {  	s26 =	simm.s32 $execute0_lowered;
	[smem:$0x3FD2] =	sst s25  }
0xa6: {  	s5 =	sshll.u32 s26, $0x1;
	_ =	strace $0x80000049;
	[dreg:$0x1] =	wrdreg $0xFFFFFFFF  }
0xa7: {  	s28 =	simm.s32 $_size_execute0_lowered;
	s3 =	sadd.s32 s3, s5;
	[dreg:$0x0] =	wrdreg $0x0  }
0xa8: {  	s5 =	sshll.u32 s28, $0x1;
	[dreg:$0x2] =	wrdreg s3  }
0xa9: {  	[dreg:$0x3] =	wrdreg s5  }
0xaa: {  	[dreg:$0x4] =	wrdreg $0xC0  }
0xab: {  	_ =	task [dreg:s7], $0x5FFFF  }
0xac: {  	[dreg:$0x1] =	wrdreg $0xFFFFFFFF  }
0xad: {  	[dreg:$0x0] =	wrdreg $0x60  }
0xae: {  	[dreg:$0x2] =	wrdreg s2  }
0xaf: {  	[dreg:$0x3] =	wrdreg s24  }
0xb0: {  	[dreg:$0x4] =	wrdreg $0x8C800  }
0xb1: {  	[dreg:$0x5] =	wrdreg $0x9  }
0xb2: {  	_ =	task.clear_ibuf [dreg:s7], $0x6FFFF;
	_ =	strace $0x90000049  }
0xb3: {  	s29 =	simm.s32 $0x9;
	_ =	strace $0x8000004B  }
0xb4: {  	_ =	swait.ge [sflag:s29], $0x1  }
0xb5: {  	[sflag:s29] =	ssyncadd.s32 $0xFFFFFFFF  }
0xb6: {  	_ =	strace $0x9000004B  }
0xb7: {  	_ =	sfence  }
0xb8: {  	s30 =	sld [smem:$0x0];
	_ =	sdelay $0x2  }
0xb9: {  	s31 =	sshll.u32 s1, $0xD;
	s1 =	sshrl.u32 s1, $0x2  }
0xba: {  	s3 =	sand.u32 $0x4000, s31;
	s1 =	sadd.s32 s1, s30  }
0xbb: {  	s0 =	sor.u32 s3, s0;
	s1 =	sshll.u32 s1, $0x11  }
0xbc: {  	s0 =	sor.u32 s1, s0  }
0xbd: {  	s0 =	sadd.s32 $0x8F2B, s0  }
0xbe: {  	[sflag:s0] =	ssyncadd.remote.s32 $0x1  }
0xbf: {  	_ =	sfence.sel $0xFFFF  }
0xc0: {  	[dreg:$0x0] =	wrdreg $0xFFFFFFFF;
	(pc) =	sbr.abs _section_cstart, $3  }
0xc1: {  	[dreg:$0x1] =	wrdreg $0xFFFFFFFF  }
0xc2: {  	_ =	task.clear_ibuf [dreg:s7], $0x2FFFF;
	_ =	strace $0x9FFFFFFF  }
0xc3: {  	(tm) =	ssettm $0x7FFFFFFF  }
tec
execute0_lowered:
.L_overlay_start_1:
0x0: {  	(tag) =	ssettag $0x1  }
0x1: {  	s1 =	rddreg [dreg:$0x0]  }
0x2: {  	s3 =	srdreg.scid;
	s11 =	stileid.u32  }
0x3: {  	s0 =	rddreg [dreg:$0x1];
	s3 =	sand.u32 $0x1, s3;
	s7 =	smul.u32 $0x14000, s11  }
0x4: {  	s2 =	rddreg [dreg:$0x2];
	s10 =	smul.u32 $0x50000, s11;
	s5 =	sshll.u32 s3, $0x4  }
0x5: {  	s4 =	simm.s32 $0x0;
	s6 =	smul.u32 $0x140000, s3;
	s8 =	sor.u32 s11, s5  }
0x6: {  	[smem:$0x7FF] =	sst s4;
	s31 =	sadd.s32 $0xB000, s0;
	s8 =	smul.u32 $0x2710, s8  }
0x7: {  	s16 =	smul.u32 $0x2710, s11;
	_ =	strace $0x8000004A;
	s9 =	ssub.s32 $0x2, s3  }
0x8: {  	s5 =	sadd.s32 $0x1200, s0;
	s7 =	sadd.s32 s7, s6;
	s8 =	sshrl.u32 s8, $0x3  }
0x9: {  	s23 =	sshrl.u32 s9, $0x1;
	s7 =	sshrl.u32 s7, $0x3;
	s25 =	sadd.s32 s31, s8  }
0xa: {  	s0 =	sadd.s32 s7, s0;
	s26 =	sadd.s32 s5, s8;
	[dreg:$0xa] =	wrdreg s25  }
0xb: {  	s7 =	ssub.s32 s9, s23;
	s0 =	sadd.s32 $0x64E00, s0;
	[dreg:$0xb] =	wrdreg s26  }
0xc: {  	s24 =	sadd.s32 $0x8, s8;
	s7 =	smax.u32 s7, $0x1;
	[dreg:$0x15] =	wrdreg s0  }
0xd: {  	s3 =	smul.u32 $0x27100, s3;
	s12 =	sadd.s32 s31, s24;
	[dreg:$0x16] =	wrdreg s7  }
0xe: {  	s15 =	sadd.s32 $0x4D0, s8;
	s13 =	sadd.s32 s5, s24;
	[dreg:$0xc] =	wrdreg s12  }
0xf: {  	s14 =	sshrl.u32 s10, $0x2;
	s17 =	sadd.s32 s31, s15;
	[dreg:$0xd] =	wrdreg s13  }
0x10: {  	s19 =	sadd.s32 $0x4D8, s8;
	s18 =	sadd.s32 s5, s15;
	[dreg:$0xf] =	wrdreg s17  }
0x11: {  	s3 =	sadd.s32 s16, s3;
	s20 =	sadd.s32 s31, s19;
	[dreg:$0x10] =	wrdreg s18  }
0x12: {  	s8 =	sadd.s32 $0x4E0, s8;
	s21 =	sadd.s32 s5, s19;
	[dreg:$0x11] =	wrdreg s20  }
0x13: {  	s9 =	sadd.s32 $0xC0, s3;
	s22 =	sadd.s32 s31, s8;
	[dreg:$0x12] =	wrdreg s21  }
0x14: {  	s10 =	sshrl.u32 s9, $0x3;
	s24 =	sadd.s32 s5, s8;
	[dreg:$0x13] =	wrdreg s22  }
0x15: {  	s23 =	sadd.s32 $0x140, s3;
	s11 =	sadd.s32 s10, s5;
	[dreg:$0x14] =	wrdreg s24  }
0x16: {  	s25 =	sadd.s32 s14, s2;
	s26 =	sshrl.u32 s23, $0x3;
	[dreg:$0x6] =	wrdreg s11  }
0x17: {  	s8 =	sadd.s32 s26, s5;
	[dreg:$0xe] =	wrdreg s25  }
0x18: {  	s0 =	sadd.s32 s26, s31;
	[dreg:$0x4] =	wrdreg s8  }
0x19: {  	s15 =	sadd.s32 $0x2000, s25;
	[dreg:$0x5] =	wrdreg s0  }
0x1a: {  	s30 =	simm.s32 $0x6400;
	s13 =	sadd.s32 s10, s31;
	[dreg:$0x17] =	wrdreg s15  }
0x1b: {  	s28 =	simm.s32 $0x7;
	s17 =	sadd.s32 $0x4000, s25;
	[dreg:$0x7] =	wrdreg s13  }
0x1c: {  	s29 =	simm.s32 $0xA;
	s19 =	sadd.s32 $0x6000, s25;
	[dreg:$0x18] =	wrdreg s17  }
0x1d: {  	s6 =	simm.s32 $0x80;
	s20 =	sadd.s32 $0x8000, s25;
	[dreg:$0x19] =	wrdreg s19  }
0x1e: {  	s9 =	simm.s32 $0x1;
	s21 =	sadd.s32 $0xA000, s25;
	[dreg:$0x1a] =	wrdreg s20  }
0x1f: {  	s12 =	sadd.s32 $0x80, s3;
	s3 =	sadd.s32 $0x100, s3;
	[dreg:$0x1b] =	wrdreg s21  }
0x20: {  	s7 =	simm.s32 $0x280;
	s22 =	sadd.s32 $0xC000, s25;
	[dreg:$0x1c] =	wrdreg s3  }
0x21: {  	s23 =	sadd.s32 $0xE000, s25;
	s24 =	sadd.s32 $0x10000, s25;
	[dreg:$0x1d] =	wrdreg s22  }
0x22: {  	s26 =	sadd.s32 $0x12000, s25;
	s10 =	simm.s32 $0x40;
	[dreg:$0x1e] =	wrdreg s23  }
0x23: {  	s14 =	sshrl.u32 s12, $0x3;
	s0 =	smov.u32 s5;
	[dreg:$0x1f] =	wrdreg s24  }
0x24: {  	[smem:$0x7FD] =	sst s26;
	s12 =	simm.s32 $0x400;
	s13 =	simm.s32 $0xE  }
0x25: {  	s15 =	simm.s32 $0x100;
	s17 =	simm.s32 $0x300;
	s21 =	simm.s32 $0x5  }
0x26: {  	s20 =	simm.s32 $0x180;
	s19 =	simm.s32 $0x3;
	s22 =	simm.s32 $0x4400  }
0x27: {  	s24 =	simm.s32 $0x6;
	s26 =	simm.s32 $0x9;
	s23 =	simm.s32 $0x4  }
0x28: {  	s8 =	simm.s32 $0x0;
	s16 =	sadd.s32 s14, s5;
	s18 =	sadd.s32 s14, s31  }
0x29: {  	s5 =	simm.s32 $0x200;
	s14 =	simm.s32 $0x2;
	[dreg:$0x8] =	wrdreg s16  }
0x2a: {  	v0 =	vimm.f32 $0.0e+00;
	[dreg:$0x9] =	wrdreg s18;
	s18 =	simm.s32 $0x2400;
	s16 =	simm.s32 $0x380  }
.LBB2_1:
0x2b: {  	[smem:$0x7FC] =	sst s8  }
0x2c: {  	s3 =	rddreg [dreg:$0xa]  }
0x2d: {  	[tilespmem:s4], [sflag:$0x1] =	stream.linear.gather [hbm4b:s3+s4], $0x40, $0x38;
	[tilespmem:$0x1CC80] =	vst v63  }
0x2e: {  	s11 =	rddreg [dreg:$0xb]  }
0x2f: {  	[tilespmem:s5], [sflag:$0x1] =	stream.linear.gather [hbm4b:s11+s4], $0x40, $0x38;
	[tilespmem:$0x1CC80] =	vst v63  }
0x30: {  	s8 =	rddreg [dreg:$0xc]  }
0x31: {  	[tilespmem:s6], [sflag:$0x2] =	stream.linear.gather [hbm4b:s8+s4], $0x40, $0x38;
	[tilespmem:$0x1CC80] =	vst v63  }
0x32: {  	s11 =	rddreg [dreg:$0xd]  }
0x33: {  	[tilespmem:s7], [sflag:$0x2] =	stream.linear.gather [hbm4b:s11+s4], $0x40, $0x38;
	[tilespmem:$0x1CC80] =	vst v63  }
0x34: {  	s8 =	simm.s32 $0x0;
	s11 =	simm.s32 $0x200  }
.LBB2_2:
0x35: {  	p0 =	sne.s32 s11, $0x7E00;
	[tilespmem:s8+$0x470] =	vst v0  }
0x36: {  	[tilespmem:s8+$0x400] =	vst v0  }
0x37: {  	[tilespmem:s8+$0x410] =	vst v0  }
.Ltmp0:
0x38: {  	[tilespmem:s8+$0x420] =	vst v0;
	(pc) =	sbr.rel @p0 .LBB2_2-.Ltmp0, $4  }
0x39: {  	[tilespmem:s8+$0x430] =	vst v0  }
0x3a: {  	[tilespmem:s8+$0x440] =	vst v0  }
0x3b: {  	[tilespmem:s8+$0x450] =	vst v0  }
0x3c: {  	[tilespmem:s8+$0x460] =	vst v0;
	s8 =	sshra.s32 s11, $0x2;
	s11 =	sadd.s32 $0x200, s11  }
0x3d: {  	[tilespmem:s8+$0x470] =	vst v0  }
0x3e: {  	[tilespmem:s8+$0x400] =	vst v0  }
0x3f: {  	[tilespmem:s8+$0x410] =	vst v0  }
0x40: {  	[tilespmem:s8+$0x420] =	vst v0  }
0x41: {  	[tilespmem:s8+$0x430] =	vst v0  }
0x42: {  	[tilespmem:s8+$0x440] =	vst v0  }
0x43: {  	[tilespmem:s8+$0x450] =	vst v0  }
0x44: {  	[tilespmem:s8+$0x460] =	vst v0  }
0x45: {  	[spmem:s25] =	stream.linear.scatter [tilespmem:s12], [sflag:$0xE], $0x2000, $0x38;
	[tilespmem:$0x1CC80] =	vst v63  }
0x46: {  	_ =	swait.ge [sflag:s13], $0x2000  }
0x47: {  	[sflag:s13] =	ssyncset.done $0x0  }
0x48: {  	s3 =	rddreg [dreg:$0x17];
	[sflag:s13] =	ssyncadd.s32 $0xFFFFE000  }
0x49: {  	[spmem:s3] =	stream.linear.scatter [tilespmem:s12], [sflag:$0xE], $0x2000, $0x38;
	[tilespmem:$0x1CC80] =	vst v63  }
0x4a: {  	_ =	swait.ge [sflag:s13], $0x2000  }
0x4b: {  	[sflag:s13] =	ssyncset.done $0x0  }
0x4c: {  	s25 =	rddreg [dreg:$0x18];
	[sflag:s13] =	ssyncadd.s32 $0xFFFFE000  }
0x4d: {  	[spmem:s25] =	stream.linear.scatter [tilespmem:s12], [sflag:$0xE], $0x2000, $0x38;
	[tilespmem:$0x1CC80] =	vst v63  }
0x4e: {  	_ =	swait.ge [sflag:s13], $0x2000  }
0x4f: {  	[sflag:s13] =	ssyncset.done $0x0  }
0x50: {  	s8 =	rddreg [dreg:$0x19];
	[sflag:s13] =	ssyncadd.s32 $0xFFFFE000  }
0x51: {  	[spmem:s8] =	stream.linear.scatter [tilespmem:s12], [sflag:$0xE], $0x2000, $0x38;
	[tilespmem:$0x1CC80] =	vst v63  }
0x52: {  	_ =	swait.ge [sflag:s13], $0x2000  }
0x53: {  	[sflag:s13] =	ssyncset.done $0x0  }
0x54: {  	s11 =	rddreg [dreg:$0x1a];
	[sflag:s13] =	ssyncadd.s32 $0xFFFFE000  }
0x55: {  	[spmem:s11] =	stream.linear.scatter [tilespmem:s12], [sflag:$0xE], $0x2000, $0x38;
	[tilespmem:$0x1CC80] =	vst v63  }
0x56: {  	_ =	swait.ge [sflag:s13], $0x2000  }
0x57: {  	[sflag:s13] =	ssyncset.done $0x0  }
0x58: {  	s25 =	rddreg [dreg:$0x1b];
	[sflag:s13] =	ssyncadd.s32 $0xFFFFE000  }
0x59: {  	[spmem:s25] =	stream.linear.scatter [tilespmem:s12], [sflag:$0xE], $0x2000, $0x38;
	[tilespmem:$0x1CC80] =	vst v63  }
0x5a: {  	_ =	swait.ge [sflag:s13], $0x2000  }
0x5b: {  	[sflag:s13] =	ssyncset.done $0x0  }
0x5c: {  	s8 =	rddreg [dreg:$0x1d];
	[sflag:s13] =	ssyncadd.s32 $0xFFFFE000  }
0x5d: {  	[spmem:s8] =	stream.linear.scatter [tilespmem:s12], [sflag:$0xE], $0x2000, $0x38;
	[tilespmem:$0x1CC80] =	vst v63  }
0x5e: {  	_ =	swait.ge [sflag:s13], $0x2000  }
0x5f: {  	[sflag:s13] =	ssyncset.done $0x0  }
0x60: {  	s11 =	rddreg [dreg:$0x1e];
	[sflag:s13] =	ssyncadd.s32 $0xFFFFE000  }
0x61: {  	[spmem:s11] =	stream.linear.scatter [tilespmem:s12], [sflag:$0xE], $0x2000, $0x38;
	[tilespmem:$0x1CC80] =	vst v63  }
0x62: {  	_ =	swait.ge [sflag:s13], $0x2000  }
0x63: {  	[sflag:s13] =	ssyncset.done $0x0  }
0x64: {  	s25 =	rddreg [dreg:$0x1f];
	[sflag:s13] =	ssyncadd.s32 $0xFFFFE000  }
0x65: {  	[spmem:s25] =	stream.linear.scatter [tilespmem:s12], [sflag:$0xE], $0x2000, $0x38;
	[tilespmem:$0x1CC80] =	vst v63  }
0x66: {  	_ =	swait.ge [sflag:s13], $0x2000  }
0x67: {  	s8 =	sld [smem:$0x7FD]  }
0x68: {  	[sflag:s13] =	ssyncset.done $0x0  }
0x69: {  	[sflag:s13] =	ssyncadd.s32 $0xFFFFE000  }
0x6a: {  	[spmem:s8] =	stream.linear.scatter [tilespmem:s12], [sflag:$0xE], $0x2000, $0x38;
	[tilespmem:$0x1CC80] =	vst v63  }
0x6b: {  	_ =	swait.ge [sflag:s13], $0x2000  }
0x6c: {  	[sflag:s13] =	ssyncset.done $0x0  }
0x6d: {  	[sflag:s13] =	ssyncadd.s32 $0xFFFFE000  }
0x6e: {  	[bflag:$0x0] =	sbarrier.arrive $0xFFFF  }
0x6f: {  	_ =	swait.ge [sflag:s9], $0x40  }
0x70: {  	[sflag:s9] =	ssyncset.done $0x0  }
0x71: {  	[sflag:s9] =	ssyncadd.s32 $0xFFFFFFC0  }
0x72: {  	_ =	swait.ge [sflag:s9], $0x40  }
0x73: {  	p0 =	por $0x1, $0x1;
	[sflag:s9] =	ssyncset.done $0x0  }
0x74: {  	s11 =	simm.s32 $0x0;
	s8 =	simm.s32 @!p0 $0xB;
	[sflag:s9] =	ssyncadd.s32 $0xFFFFFFC0  }
0x75: {  	[tilespmem:s12], [sflag:$0x5] =	stream.indirect.gather [hbm4b:s1+s10], $0x80, s11, s10, $0xb8;
	[tilespmem:$0x1CC80] =	vst v63  }
0x76: {  	_ =	swait.ge @!p0 [sflag:s8], $0x2000  }
0x77: {  	s11 =	rddreg [dreg:$0x9];
	[sflag:s8] =	ssyncset.done @!p0 $0x0  }
0x78: {  	s13 =	rddreg [dreg:$0x8];
	[sflag:s8] =	ssyncadd.s32 @!p0 $0xFFFFE000;
	s3 =	sadd.s32 $0x0, s11  }
0x79: {  	[tilespmem:s15], [sflag:$0x3] =	stream.linear.gather [hbm4b:s3+s4], $0x40, $0x38;
	[tilespmem:$0x1CC80] =	vst v63  }
0x7a: {  	s11 =	sadd.s32 $0x0, s13  }
0x7b: {  	[tilespmem:s17], [sflag:$0x3] =	stream.linear.gather [hbm4b:s11+s4], $0x40, $0x38;
	[tilespmem:$0x1CC80] =	vst v63  }
0x7c: {  	_ =	swait.ge [sflag:s14], $0x40  }
0x7d: {  	[sflag:s14] =	ssyncset.done $0x0  }
0x7e: {  	[sflag:s14] =	ssyncadd.s32 $0xFFFFFFC0  }
0x7f: {  	_ =	swait.ge [sflag:s14], $0x40  }
0x80: {  	[sflag:s14] =	ssyncset.done $0x0  }
0x81: {  	[sflag:s14] =	ssyncadd.s32 $0xFFFFFFC0  }
0x82: {  	[tilespmem:s18], [sflag:$0x6] =	stream.indirect.gather [hbm4b:s1+s10], $0x80, s6, s10, $0xb8;
	[tilespmem:$0x1CC80] =	vst v63  }
0x83: {  	_ =	swait.ge [sflag:s21], $0x2000  }
0x84: {  	[sflag:s21] =	ssyncset.done $0x0  }
0x85: {  	s8 =	simm.s32 @!p0 $0xC;
	[sflag:s21] =	ssyncadd.s32 $0xFFFFE000  }
0x86: {  	[spmem:s2] =	stream.indirect.scatter.add.f32 [tilespmem:s12], [sflag:$0x9], $0x80, s5, s10, $0xb8;
	[tilespmem:$0x1CC80] =	vst v63  }
0x87: {  	_ =	swait.ge @!p0 [sflag:s8], $0x2000  }
0x88: {  	s13 =	rddreg [dreg:$0x7];
	[sflag:s8] =	ssyncset.done @!p0 $0x0  }
0x89: {  	s21 =	rddreg [dreg:$0x6];
	[sflag:s8] =	ssyncadd.s32 @!p0 $0xFFFFE000;
	s3 =	sadd.s32 $0x0, s13  }
0x8a: {  	[tilespmem:s20], [sflag:$0x4] =	stream.linear.gather [hbm4b:s3+s4], $0x40, $0x38;
	[tilespmem:$0x1CC80] =	vst v63  }
0x8b: {  	s11 =	sadd.s32 $0x0, s21  }
0x8c: {  	[tilespmem:s16], [sflag:$0x4] =	stream.linear.gather [hbm4b:s11+s4], $0x40, $0x38;
	[tilespmem:$0x1CC80] =	vst v63  }
0x8d: {  	_ =	swait.ge [sflag:s19], $0x40  }
0x8e: {  	[sflag:s19] =	ssyncset.done $0x0  }
0x8f: {  	[sflag:s19] =	ssyncadd.s32 $0xFFFFFFC0  }
0x90: {  	_ =	swait.ge [sflag:s19], $0x40  }
0x91: {  	[sflag:s19] =	ssyncset.done $0x0  }
0x92: {  	[sflag:s19] =	ssyncadd.s32 $0xFFFFFFC0  }
0x93: {  	[tilespmem:s22], [sflag:$0x7] =	stream.indirect.gather [hbm4b:s1+s10], $0x80, s15, s10, $0xb8;
	[tilespmem:$0x1CC80] =	vst v63  }
0x94: {  	_ =	swait.ge [sflag:s24], $0x2000  }
0x95: {  	[sflag:s24] =	ssyncset.done $0x0  }
0x96: {  	[sflag:s24] =	ssyncadd.s32 $0xFFFFE000  }
0x97: {  	[spmem:s2] =	stream.indirect.scatter.add.f32 [tilespmem:s18], [sflag:$0xA], $0x80, s7, s10, $0xb8;
	[tilespmem:$0x1CC80] =	vst v63  }
0x98: {  	_ =	swait.ge [sflag:s26], $0x2000  }
0x99: {  	s13 =	rddreg [dreg:$0x1c]  }
0x9a: {  	[sflag:s26] =	ssyncset.done $0x0;
	s18 =	sshrl.u32 s13, $0x3  }
0x9b: {  	[sflag:s26] =	ssyncadd.s32 $0xFFFFE000;
	s21 =	sadd.s32 s31, s18  }
0x9c: {  	[tilespmem:s4], [sflag:$0x1] =	stream.linear.gather [hbm4b:s21+s4], $0x40, $0x38;
	[tilespmem:$0x1CC80] =	vst v63  }
0x9d: {  	s8 =	sadd.s32 s0, s18  }
0x9e: {  	[tilespmem:s5], [sflag:$0x1] =	stream.linear.gather [hbm4b:s8+s4], $0x40, $0x38;
	[tilespmem:$0x1CC80] =	vst v63  }
0x9f: {  	_ =	swait.ge [sflag:s23], $0x40  }
0xa0: {  	[sflag:s23] =	ssyncset.done $0x0  }
0xa1: {  	[sflag:s23] =	ssyncadd.s32 $0xFFFFFFC0  }
0xa2: {  	_ =	swait.ge [sflag:s23], $0x40  }
0xa3: {  	[sflag:s23] =	ssyncset.done $0x0  }
0xa4: {  	[sflag:s23] =	ssyncadd.s32 $0xFFFFFFC0  }
0xa5: {  	[tilespmem:s30], [sflag:$0x8] =	stream.indirect.gather [hbm4b:s1+s10], $0x80, s20, s10, $0xb8;
	[tilespmem:$0x1CC80] =	vst v63  }
0xa6: {  	_ =	swait.ge [sflag:s28], $0x2000  }
0xa7: {  	[sflag:s28] =	ssyncset.done $0x0  }
0xa8: {  	[sflag:s28] =	ssyncadd.s32 $0xFFFFE000  }
0xa9: {  	[spmem:s2] =	stream.indirect.scatter.add.f32 [tilespmem:s22], [sflag:$0xB], $0x80, s17, s10, $0xb8;
	[tilespmem:$0x1CC80] =	vst v63  }
0xaa: {  	_ =	swait.ge [sflag:s29], $0x2000  }
0xab: {  	s24 =	rddreg [dreg:$0x5];
	[sflag:s29] =	ssyncset.done $0x0  }
0xac: {  	s25 =	rddreg [dreg:$0x4];
	[sflag:s29] =	ssyncadd.s32 $0xFFFFE000;
	s8 =	sadd.s32 $0x0, s24  }
0xad: {  	[tilespmem:s6], [sflag:$0x2] =	stream.linear.gather [hbm4b:s8+s4], $0x40, $0x38;
	[tilespmem:$0x1CC80] =	vst v63  }
0xae: {  	s26 =	sadd.s32 $0x0, s25  }
0xaf: {  	[tilespmem:s7], [sflag:$0x2] =	stream.linear.gather [hbm4b:s26+s4], $0x40, $0x38;
	[tilespmem:$0x1CC80] =	vst v63  }
0xb0: {  	p1 =	por $0x0, $0x0;
	_ =	swait.ge [sflag:s9], $0x40  }
0xb1: {  	s16 =	simm.s32 $0xA;
	s11 =	simm.s32 $0x40;
	[sflag:s9] =	ssyncset.done $0x0  }
0xb2: {  	s15 =	simm.s32 $0x400;
	s21 =	simm.s32 $0x5;
	[sflag:s9] =	ssyncadd.s32 $0xFFFFFFC0  }
0xb3: {  	s20 =	simm.s32 $0x2400;
	s30 =	simm.s32 $0x20;
	_ =	swait.ge [sflag:s9], $0x40  }
0xb4: {  	s28 =	simm.s32 $0x9;
	s17 =	simm.s32 $0x100;
	[sflag:s9] =	ssyncset.done $0x0  }
0xb5: {  	s29 =	simm.s32 $0x7;
	s6 =	simm.s32 $0x8;
	[sflag:s9] =	ssyncadd.s32 $0xFFFFFFC0  }
0xb6: {  	[tilespmem:s12], [sflag:$0x5] =	stream.indirect.gather [hbm4b:s1+s10], $0x80, s4, s10, $0xb8;
	[tilespmem:$0x1CC80] =	vst v63  }
0xb7: {  	s25 =	sadd.s32 $0x100, s13;
	s7 =	simm.s32 $0x200;
	_ =	swait.ge [sflag:s6], $0x2000  }
0xb8: {  	s26 =	simm.s32 $0x6;
	s12 =	simm.s32 $0x80;
	[sflag:s6] =	ssyncset.done $0x0  }
.LBB2_4:
0xb9: {  	s5 =	simm.s32 @!p1 $0xB  }
0xba: {  	[sflag:s6] =	ssyncadd.s32 $0xFFFFE000;
	s18 =	simm.s32 $0x380;
	s24 =	simm.s32 $0x6400  }
0xbb: {  	[spmem:s2] =	stream.indirect.scatter.add.f32 [tilespmem:s24], [sflag:$0xC], $0x80, s18, s10, $0xb8;
	[tilespmem:$0x1CC80] =	vst v63  }
0xbc: {  	_ =	swait.ge @!p1 [sflag:s5], $0x2000  }
0xbd: {  	[sflag:s5] =	ssyncset.done @!p1 $0x0;
	s22 =	rddreg [dreg:$0x9]  }
0xbe: {  	s3 =	rddreg [dreg:$0x8];
	[sflag:s5] =	ssyncadd.s32 @!p1 $0xFFFFE000;
	s6 =	sadd.s32 s30, s22  }
0xbf: {  	[tilespmem:s17], [sflag:$0x3] =	stream.linear.gather [hbm4b:s6+s4], $0x40, $0x38;
	[tilespmem:$0x1CC80] =	vst v63  }
0xc0: {  	s5 =	sadd.s32 s30, s3;
	s22 =	simm.s32 $0x300  }
0xc1: {  	[tilespmem:s22], [sflag:$0x3] =	stream.linear.gather [hbm4b:s5+s4], $0x40, $0x38;
	[tilespmem:$0x1CC80] =	vst v63  }
0xc2: {  	_ =	swait.ge [sflag:s14], $0x40  }
0xc3: {  	[sflag:s14] =	ssyncset.done $0x0  }
0xc4: {  	[sflag:s14] =	ssyncadd.s32 $0xFFFFFFC0  }
0xc5: {  	_ =	swait.ge [sflag:s14], $0x40  }
0xc6: {  	[sflag:s14] =	ssyncset.done $0x0  }
0xc7: {  	[sflag:s14] =	ssyncadd.s32 $0xFFFFFFC0  }
0xc8: {  	[tilespmem:s20], [sflag:$0x6] =	stream.indirect.gather [hbm4b:s1+s10], $0x80, s12, s10, $0xb8;
	[tilespmem:$0x1CC80] =	vst v63  }
0xc9: {  	_ =	swait.ge [sflag:s21], $0x2000  }
0xca: {  	[sflag:s21] =	ssyncset.done $0x0  }
0xcb: {  	s5 =	simm.s32 @!p1 $0xC;
	[sflag:s21] =	ssyncadd.s32 $0xFFFFE000  }
0xcc: {  	[spmem:s2] =	stream.indirect.scatter.add.f32 [tilespmem:s15], [sflag:$0x9], $0x80, s7, s10, $0xb8;
	[tilespmem:$0x1CC80] =	vst v63  }
0xcd: {  	_ =	swait.ge @!p1 [sflag:s5], $0x2000  }
0xce: {  	s3 =	smov.u32 s0;
	s13 =	rddreg [dreg:$0x7]  }
0xcf: {  	s0 =	smov.u32 s31;
	[sflag:s5] =	ssyncset.done @!p1 $0x0;
	s31 =	rddreg [dreg:$0x6]  }
0xd0: {  	[sflag:s5] =	ssyncadd.s32 @!p1 $0xFFFFE000;
	s6 =	sadd.s32 s30, s13;
	s13 =	simm.s32 $0x180  }
0xd1: {  	[tilespmem:s13], [sflag:$0x4] =	stream.linear.gather [hbm4b:s6+s4], $0x40, $0x38;
	[tilespmem:$0x1CC80] =	vst v63  }
0xd2: {  	s6 =	sadd.s32 s30, s31  }
0xd3: {  	[tilespmem:s18], [sflag:$0x4] =	stream.linear.gather [hbm4b:s6+s4], $0x40, $0x38;
	[tilespmem:$0x1CC80] =	vst v63  }
0xd4: {  	_ =	swait.ge [sflag:s19], $0x40  }
0xd5: {  	[sflag:s19] =	ssyncset.done $0x0  }
0xd6: {  	[sflag:s19] =	ssyncadd.s32 $0xFFFFFFC0  }
0xd7: {  	_ =	swait.ge [sflag:s19], $0x40  }
0xd8: {  	s31 =	smov.u32 s0;
	[sflag:s19] =	ssyncset.done $0x0  }
0xd9: {  	s0 =	smov.u32 s3;
	s3 =	simm.s32 $0x4400;
	[sflag:s19] =	ssyncadd.s32 $0xFFFFFFC0  }
0xda: {  	[tilespmem:s3], [sflag:$0x7] =	stream.indirect.gather [hbm4b:s1+s10], $0x80, s17, s10, $0xb8;
	[tilespmem:$0x1CC80] =	vst v63  }
0xdb: {  	_ =	swait.ge [sflag:s26], $0x2000  }
0xdc: {  	[sflag:s26] =	ssyncset.done $0x0  }
0xdd: {  	s18 =	simm.s32 $0x280;
	[sflag:s26] =	ssyncadd.s32 $0xFFFFE000  }
0xde: {  	[spmem:s2] =	stream.indirect.scatter.add.f32 [tilespmem:s20], [sflag:$0xA], $0x80, s18, s10, $0xb8;
	[tilespmem:$0x1CC80] =	vst v63  }
0xdf: {  	_ =	swait.ge [sflag:s28], $0x2000  }
0xe0: {  	s5 =	sshrl.u32 s25, $0x3;
	[sflag:s28] =	ssyncset.done $0x0  }
0xe1: {  	s6 =	sadd.s32 s31, s5;
	[sflag:s28] =	ssyncadd.s32 $0xFFFFE000  }
0xe2: {  	[tilespmem:s4], [sflag:$0x1] =	stream.linear.gather [hbm4b:s6+s4], $0x40, $0x38;
	[tilespmem:$0x1CC80] =	vst v63  }
0xe3: {  	s5 =	sadd.s32 s0, s5  }
0xe4: {  	[tilespmem:s7], [sflag:$0x1] =	stream.linear.gather [hbm4b:s5+s4], $0x40, $0x38;
	[tilespmem:$0x1CC80] =	vst v63  }
0xe5: {  	_ =	swait.ge [sflag:s23], $0x40  }
0xe6: {  	[sflag:s23] =	ssyncset.done $0x0  }
0xe7: {  	[sflag:s23] =	ssyncadd.s32 $0xFFFFFFC0  }
0xe8: {  	_ =	swait.ge [sflag:s23], $0x40  }
0xe9: {  	[sflag:s23] =	ssyncset.done $0x0  }
0xea: {  	[sflag:s23] =	ssyncadd.s32 $0xFFFFFFC0  }
0xeb: {  	[tilespmem:s24], [sflag:$0x8] =	stream.indirect.gather [hbm4b:s1+s10], $0x80, s13, s10, $0xb8;
	[tilespmem:$0x1CC80] =	vst v63  }
0xec: {  	_ =	swait.ge [sflag:s29], $0x2000  }
0xed: {  	[sflag:s29] =	ssyncset.done $0x0  }
0xee: {  	[sflag:s29] =	ssyncadd.s32 $0xFFFFE000  }
0xef: {  	[spmem:s2] =	stream.indirect.scatter.add.f32 [tilespmem:s3], [sflag:$0xB], $0x80, s22, s10, $0xb8;
	[tilespmem:$0x1CC80] =	vst v63  }
0xf0: {  	_ =	swait.ge [sflag:s16], $0x2000  }
0xf1: {  	s13 =	rddreg [dreg:$0x5];
	[sflag:s16] =	ssyncset.done $0x0  }
0xf2: {  	s22 =	rddreg [dreg:$0x4];
	[sflag:s16] =	ssyncadd.s32 $0xFFFFE000;
	s5 =	sadd.s32 s30, s13  }
0xf3: {  	[tilespmem:s12], [sflag:$0x2] =	stream.linear.gather [hbm4b:s5+s4], $0x40, $0x38;
	[tilespmem:$0x1CC80] =	vst v63  }
0xf4: {  	s24 =	sadd.s32 s30, s22  }
0xf5: {  	[tilespmem:s18], [sflag:$0x2] =	stream.linear.gather [hbm4b:s24+s4], $0x40, $0x38;
	[tilespmem:$0x1CC80] =	vst v63  }
0xf6: {  	_ =	swait.ge [sflag:s9], $0x40  }
0xf7: {  	[sflag:s9] =	ssyncset.done $0x0  }
0xf8: {  	s8 =	smov.u32 s11;
	s11 =	sadd.s32 $0x20, s11;
	[sflag:s9] =	ssyncadd.s32 $0xFFFFFFC0  }
0xf9: {  	p0 =	sne.s32 s11, $0x4C0;
	_ =	swait.ge [sflag:s9], $0x40  }
.Ltmp1:
0xfa: {  	[sflag:s9] =	ssyncset.done $0x0;
	(pc) =	sbr.rel @p0 .LBB2_4-.Ltmp1, $4  }
0xfb: {  	s6 =	simm.s32 $0x8;
	[sflag:s9] =	ssyncadd.s32 $0xFFFFFFC0  }
0xfc: {  	[tilespmem:s15], [sflag:$0x5] =	stream.indirect.gather [hbm4b:s1+s10], $0x80, s4, s10, $0xb8;
	[tilespmem:$0x1CC80] =	vst v63  }
0xfd: {  	s30 =	smov.u32 s8;
	_ =	swait.ge [sflag:s6], $0x2000  }
0xfe: {  	s25 =	sadd.s32 $0x100, s25;
	p1 =	seq.s32 s30, $0x0;
	[sflag:s6] =	ssyncset.done $0x0  }
0xff: {  	s5 =	simm.s32 @!p1 $0xB  }
0x100: {  	[sflag:s6] =	ssyncadd.s32 $0xFFFFE000;
	s3 =	simm.s32 $0x380;
	s22 =	simm.s32 $0x6400  }
0x101: {  	[spmem:s2] =	stream.indirect.scatter.add.f32 [tilespmem:s22], [sflag:$0xC], $0x80, s3, s10, $0xb8;
	[tilespmem:$0x1CC80] =	vst v63  }
0x102: {  	_ =	swait.ge @!p1 [sflag:s5], $0x2000  }
0x103: {  	s18 =	rddreg [dreg:$0x9];
	[sflag:s5] =	ssyncset.done @!p1 $0x0  }
0x104: {  	s8 =	rddreg [dreg:$0x8];
	[sflag:s5] =	ssyncadd.s32 @!p1 $0xFFFFE000;
	s24 =	sadd.s32 s30, s18  }
0x105: {  	[tilespmem:s17], [sflag:$0x3] =	stream.linear.gather [hbm4b:s24+s4], $0x40, $0x38;
	[tilespmem:$0x1CC80] =	vst v63  }
0x106: {  	s6 =	sadd.s32 s30, s8;
	s18 =	simm.s32 $0x300  }
0x107: {  	[tilespmem:s18], [sflag:$0x3] =	stream.linear.gather [hbm4b:s6+s4], $0x40, $0x38;
	[tilespmem:$0x1CC80] =	vst v63  }
0x108: {  	_ =	swait.ge [sflag:s14], $0x40  }
0x109: {  	[sflag:s14] =	ssyncset.done $0x0  }
0x10a: {  	[sflag:s14] =	ssyncadd.s32 $0xFFFFFFC0  }
0x10b: {  	_ =	swait.ge [sflag:s14], $0x40  }
0x10c: {  	[sflag:s14] =	ssyncset.done $0x0  }
0x10d: {  	[sflag:s14] =	ssyncadd.s32 $0xFFFFFFC0  }
0x10e: {  	[tilespmem:s20], [sflag:$0x6] =	stream.indirect.gather [hbm4b:s1+s10], $0x80, s12, s10, $0xb8;
	[tilespmem:$0x1CC80] =	vst v63  }
0x10f: {  	_ =	swait.ge [sflag:s21], $0x2000  }
0x110: {  	[sflag:s21] =	ssyncset.done $0x0  }
0x111: {  	s5 =	simm.s32 @!p1 $0xC;
	[sflag:s21] =	ssyncadd.s32 $0xFFFFE000  }
0x112: {  	[spmem:s2] =	stream.indirect.scatter.add.f32 [tilespmem:s15], [sflag:$0x9], $0x80, s7, s10, $0xb8;
	[tilespmem:$0x1CC80] =	vst v63  }
0x113: {  	_ =	swait.ge @!p1 [sflag:s5], $0x2000  }
0x114: {  	s24 =	simm.s32 $0x180;
	s8 =	rddreg [dreg:$0x7];
	[sflag:s5] =	ssyncset.done @!p1 $0x0  }
0x115: {  	s13 =	rddreg [dreg:$0x6];
	[sflag:s5] =	ssyncadd.s32 @!p1 $0xFFFFE000;
	s6 =	sadd.s32 s30, s8  }
0x116: {  	[tilespmem:s24], [sflag:$0x4] =	stream.linear.gather [hbm4b:s6+s4], $0x40, $0x38;
	[tilespmem:$0x1CC80] =	vst v63  }
0x117: {  	s3 =	simm.s32 $0x380;
	s13 =	sadd.s32 s30, s13  }
0x118: {  	[tilespmem:s3], [sflag:$0x4] =	stream.linear.gather [hbm4b:s13+s4], $0x40, $0x38;
	[tilespmem:$0x1CC80] =	vst v63  }
0x119: {  	_ =	swait.ge [sflag:s19], $0x40  }
0x11a: {  	[sflag:s19] =	ssyncset.done $0x0  }
0x11b: {  	[sflag:s19] =	ssyncadd.s32 $0xFFFFFFC0  }
0x11c: {  	_ =	swait.ge [sflag:s19], $0x40  }
0x11d: {  	[sflag:s19] =	ssyncset.done $0x0  }
0x11e: {  	s8 =	simm.s32 $0x4400;
	[sflag:s19] =	ssyncadd.s32 $0xFFFFFFC0  }
0x11f: {  	[tilespmem:s8], [sflag:$0x7] =	stream.indirect.gather [hbm4b:s1+s10], $0x80, s17, s10, $0xb8;
	[tilespmem:$0x1CC80] =	vst v63  }
0x120: {  	_ =	swait.ge [sflag:s26], $0x2000  }
0x121: {  	[sflag:s26] =	ssyncset.done $0x0  }
0x122: {  	s13 =	simm.s32 $0x280;
	[sflag:s26] =	ssyncadd.s32 $0xFFFFE000  }
0x123: {  	[spmem:s2] =	stream.indirect.scatter.add.f32 [tilespmem:s20], [sflag:$0xA], $0x80, s13, s10, $0xb8;
	[tilespmem:$0x1CC80] =	vst v63  }
0x124: {  	_ =	swait.ge [sflag:s28], $0x2000  }
0x125: {  	s25 =	sshrl.u32 s25, $0x3;
	[sflag:s28] =	ssyncset.done $0x0  }
0x126: {  	s3 =	sadd.s32 s31, s25;
	[sflag:s28] =	ssyncadd.s32 $0xFFFFE000  }
0x127: {  	[tilespmem:s4], [sflag:$0x1] =	stream.linear.gather [hbm4b:s3+s4], $0x40, $0x38;
	[tilespmem:$0x1CC80] =	vst v63  }
0x128: {  	s5 =	sadd.s32 s0, s25  }
0x129: {  	[tilespmem:s7], [sflag:$0x1] =	stream.linear.gather [hbm4b:s5+s4], $0x40, $0x38;
	[tilespmem:$0x1CC80] =	vst v63  }
0x12a: {  	_ =	swait.ge [sflag:s23], $0x40  }
0x12b: {  	[sflag:s23] =	ssyncset.done $0x0  }
0x12c: {  	[sflag:s23] =	ssyncadd.s32 $0xFFFFFFC0  }
0x12d: {  	_ =	swait.ge [sflag:s23], $0x40  }
0x12e: {  	[sflag:s23] =	ssyncset.done $0x0  }
0x12f: {  	[sflag:s23] =	ssyncadd.s32 $0xFFFFFFC0  }
0x130: {  	[tilespmem:s22], [sflag:$0x8] =	stream.indirect.gather [hbm4b:s1+s10], $0x80, s24, s10, $0xb8;
	[tilespmem:$0x1CC80] =	vst v63  }
0x131: {  	_ =	swait.ge [sflag:s29], $0x2000  }
0x132: {  	[sflag:s29] =	ssyncset.done $0x0  }
0x133: {  	[sflag:s29] =	ssyncadd.s32 $0xFFFFE000  }
0x134: {  	[spmem:s2] =	stream.indirect.scatter.add.f32 [tilespmem:s8], [sflag:$0xB], $0x80, s18, s10, $0xb8;
	[tilespmem:$0x1CC80] =	vst v63  }
0x135: {  	_ =	swait.ge [sflag:s16], $0x2000  }
0x136: {  	s6 =	rddreg [dreg:$0x5];
	[sflag:s16] =	ssyncset.done $0x0  }
0x137: {  	s25 =	rddreg [dreg:$0x4];
	[sflag:s16] =	ssyncadd.s32 $0xFFFFE000;
	s5 =	sadd.s32 s30, s6  }
0x138: {  	[tilespmem:s12], [sflag:$0x2] =	stream.linear.gather [hbm4b:s5+s4], $0x40, $0x38;
	[tilespmem:$0x1CC80] =	vst v63  }
0x139: {  	s3 =	sadd.s32 s30, s25  }
0x13a: {  	[tilespmem:s13], [sflag:$0x2] =	stream.linear.gather [hbm4b:s3+s4], $0x40, $0x38;
	[tilespmem:$0x1CC80] =	vst v63  }
0x13b: {  	_ =	swait.ge [sflag:s9], $0x40  }
0x13c: {  	[sflag:s9] =	ssyncset.done $0x0  }
0x13d: {  	[sflag:s9] =	ssyncadd.s32 $0xFFFFFFC0  }
0x13e: {  	_ =	swait.ge [sflag:s9], $0x40  }
0x13f: {  	[sflag:s9] =	ssyncset.done $0x0  }
0x140: {  	s11 =	simm.s32 $0x8;
	[sflag:s9] =	ssyncadd.s32 $0xFFFFFFC0  }
0x141: {  	[tilespmem:s15], [sflag:$0x5] =	stream.indirect.gather [hbm4b:s1+s10], $0x80, s4, s10, $0xb8;
	[tilespmem:$0x1CC80] =	vst v63  }
0x142: {  	_ =	swait.ge [sflag:s11], $0x2000  }
0x143: {  	[sflag:s11] =	ssyncset.done $0x0  }
0x144: {  	s25 =	simm.s32 $0x380;
	s5 =	simm.s32 $0xB;
	[sflag:s11] =	ssyncadd.s32 $0xFFFFE000  }
0x145: {  	[spmem:s2] =	stream.indirect.scatter.add.f32 [tilespmem:s22], [sflag:$0xC], $0x80, s25, s10, $0xb8;
	[tilespmem:$0x1CC80] =	vst v63  }
0x146: {  	_ =	swait.ge [sflag:s5], $0x2000  }
0x147: {  	[sflag:s5] =	ssyncset.done $0x0  }
0x148: {  	s6 =	rddreg [dreg:$0xf];
	[sflag:s5] =	ssyncadd.s32 $0xFFFFE000  }
0x149: {  	[tilespmem:s17], [sflag:$0x3] =	stream.linear.gather [hbm4b:s6+s4], $0x40, $0x38;
	[tilespmem:$0x1CC80] =	vst v63  }
0x14a: {  	s6 =	rddreg [dreg:$0x10]  }
0x14b: {  	[tilespmem:s18], [sflag:$0x3] =	stream.linear.gather [hbm4b:s6+s4], $0x40, $0x38;
	[tilespmem:$0x1CC80] =	vst v63  }
0x14c: {  	_ =	swait.ge [sflag:s14], $0x40  }
0x14d: {  	[sflag:s14] =	ssyncset.done $0x0  }
0x14e: {  	[sflag:s14] =	ssyncadd.s32 $0xFFFFFFC0  }
0x14f: {  	_ =	swait.ge [sflag:s14], $0x40  }
0x150: {  	[sflag:s14] =	ssyncset.done $0x0  }
0x151: {  	[sflag:s14] =	ssyncadd.s32 $0xFFFFFFC0  }
0x152: {  	[tilespmem:s20], [sflag:$0x6] =	stream.indirect.gather [hbm4b:s1+s10], $0x80, s12, s10, $0xb8;
	[tilespmem:$0x1CC80] =	vst v63  }
0x153: {  	_ =	swait.ge [sflag:s21], $0x2000  }
0x154: {  	[sflag:s21] =	ssyncset.done $0x0  }
0x155: {  	s6 =	simm.s32 $0xC;
	[sflag:s21] =	ssyncadd.s32 $0xFFFFE000  }
0x156: {  	[spmem:s2] =	stream.indirect.scatter.add.f32 [tilespmem:s15], [sflag:$0x9], $0x80, s7, s10, $0xb8;
	[tilespmem:$0x1CC80] =	vst v63  }
0x157: {  	_ =	swait.ge [sflag:s6], $0x2000  }
0x158: {  	[sflag:s6] =	ssyncset.done $0x0  }
0x159: {  	s15 =	rddreg [dreg:$0x11];
	[sflag:s6] =	ssyncadd.s32 $0xFFFFE000  }
0x15a: {  	[tilespmem:s24], [sflag:$0x4] =	stream.linear.gather [hbm4b:s15+s4], $0x40, $0x38;
	[tilespmem:$0x1CC80] =	vst v63  }
0x15b: {  	s21 =	rddreg [dreg:$0x12]  }
0x15c: {  	[tilespmem:s25], [sflag:$0x4] =	stream.linear.gather [hbm4b:s21+s4], $0x40, $0x38;
	[tilespmem:$0x1CC80] =	vst v63  }
0x15d: {  	_ =	swait.ge [sflag:s19], $0x40  }
0x15e: {  	[sflag:s19] =	ssyncset.done $0x0  }
0x15f: {  	[sflag:s19] =	ssyncadd.s32 $0xFFFFFFC0  }
0x160: {  	_ =	swait.ge [sflag:s19], $0x40  }
0x161: {  	[sflag:s19] =	ssyncset.done $0x0  }
0x162: {  	[sflag:s19] =	ssyncadd.s32 $0xFFFFFFC0  }
0x163: {  	[tilespmem:s8], [sflag:$0x7] =	stream.indirect.gather [hbm4b:s1+s10], $0x80, s17, s10, $0xb8;
	[tilespmem:$0x1CC80] =	vst v63  }
0x164: {  	_ =	swait.ge [sflag:s26], $0x2000  }
0x165: {  	[sflag:s26] =	ssyncset.done $0x0  }
0x166: {  	[sflag:s26] =	ssyncadd.s32 $0xFFFFE000  }
0x167: {  	[spmem:s2] =	stream.indirect.scatter.add.f32 [tilespmem:s20], [sflag:$0xA], $0x80, s13, s10, $0xb8;
	[tilespmem:$0x1CC80] =	vst v63  }
0x168: {  	_ =	swait.ge [sflag:s28], $0x2000  }
0x169: {  	[sflag:s28] =	ssyncset.done $0x0  }
0x16a: {  	[sflag:s28] =	ssyncadd.s32 $0xFFFFE000  }
0x16b: {  	_ =	swait.ge [sflag:s23], $0x40  }
0x16c: {  	[sflag:s23] =	ssyncset.done $0x0  }
0x16d: {  	[sflag:s23] =	ssyncadd.s32 $0xFFFFFFC0  }
0x16e: {  	_ =	swait.ge [sflag:s23], $0x40  }
0x16f: {  	[sflag:s23] =	ssyncset.done $0x0  }
0x170: {  	[sflag:s23] =	ssyncadd.s32 $0xFFFFFFC0  }
0x171: {  	[tilespmem:s22], [sflag:$0x8] =	stream.indirect.gather [hbm4b:s1+s10], $0x80, s24, s10, $0xb8;
	[tilespmem:$0x1CC80] =	vst v63  }
0x172: {  	_ =	swait.ge [sflag:s29], $0x2000  }
0x173: {  	[sflag:s29] =	ssyncset.done $0x0  }
0x174: {  	[sflag:s29] =	ssyncadd.s32 $0xFFFFE000  }
0x175: {  	[spmem:s2] =	stream.indirect.scatter.add.f32 [tilespmem:s8], [sflag:$0xB], $0x80, s18, s10, $0xb8;
	[tilespmem:$0x1CC80] =	vst v63  }
0x176: {  	_ =	swait.ge [sflag:s11], $0x2000  }
0x177: {  	[sflag:s11] =	ssyncset.done $0x0  }
0x178: {  	s7 =	simm.s32 $0x380;
	[sflag:s11] =	ssyncadd.s32 $0xFFFFE000  }
0x179: {  	[spmem:s2] =	stream.indirect.scatter.add.f32 [tilespmem:s22], [sflag:$0xC], $0x80, s7, s10, $0xb8;
	[tilespmem:$0x1CC80] =	vst v63  }
0x17a: {  	s13 =	simm.s32 $0xE;
	s8 =	rddreg [dreg:$0x13];
	s11 =	simm.s32 $0x8400  }
0x17b: {  	[tilespmem:s11], [sflag:$0xE] =	stream.linear.gather [hbm4b:s8+s4], $0x10, $0x38;
	[tilespmem:$0x1CC80] =	vst v63  }
0x17c: {  	_ =	swait.ge [sflag:s13], $0x10  }
0x17d: {  	s12 =	simm.s32 $0x10;
	[sflag:s13] =	ssyncset.done $0x0  }
0x17e: {  	s15 =	simm.s32 $0x8480;
	s17 =	simm.s32 $0xD;
	[sflag:s13] =	ssyncadd.s32 $0xFFFFFFF0  }
0x17f: {  	[tilespmem:s15], [sflag:$0xD] =	stream.indirect.gather [hbm4b:s1+s12], $0x80, s11, s12, $0xb8;
	[tilespmem:$0x1CC80] =	vst v63  }
0x180: {  	_ =	swait.ge [sflag:s17], $0x800  }
0x181: {  	[sflag:s17] =	ssyncset.done $0x0  }
0x182: {  	s18 =	rddreg [dreg:$0x14];
	[sflag:s17] =	ssyncadd.s32 $0xFFFFF800  }
0x183: {  	[tilespmem:s11], [sflag:$0xE] =	stream.linear.gather [hbm4b:s18+s4], $0x10, $0x38;
	[tilespmem:$0x1CC80] =	vst v63  }
0x184: {  	_ =	swait.ge [sflag:s13], $0x10  }
0x185: {  	[sflag:s13] =	ssyncset.done $0x0  }
0x186: {  	[sflag:s13] =	ssyncadd.s32 $0xFFFFFFF0  }
0x187: {  	[spmem:s2] =	stream.indirect.scatter.add.f32 [tilespmem:s15], [sflag:$0xE], $0x80, s11, s12, $0xb8;
	[tilespmem:$0x1CC80] =	vst v63  }
0x188: {  	_ =	swait.ge [sflag:s13], $0x800  }
0x189: {  	[sflag:s13] =	ssyncset.done $0x0  }
0x18a: {  	[sflag:s13] =	ssyncadd.s32 $0xFFFFF800  }
0x18b: {  	_ =	swait.ge [sflag:s16], $0x2000  }
0x18c: {  	[sflag:s16] =	ssyncset.done $0x0  }
0x18d: {  	[sflag:s16] =	ssyncadd.s32 $0xFFFFE000  }
0x18e: {  	_ =	swait.ge [sflag:s5], $0x2000  }
0x18f: {  	[sflag:s5] =	ssyncset.done $0x0  }
0x190: {  	[sflag:s5] =	ssyncadd.s32 $0xFFFFE000  }
0x191: {  	_ =	swait.ge [sflag:s6], $0x2000  }
0x192: {  	[sflag:s6] =	ssyncset.done $0x0  }
0x193: {  	[sflag:s6] =	ssyncadd.s32 $0xFFFFE000  }
0x194: {  	s20 =	stileid.u32;
	[bflag:$0x0] =	sbarrier.arrive $0xFFFF  }
0x195: {  	s5 =	sshll.u32 s20, $0x6;
	s25 =	rddreg [dreg:$0xe]  }
0x196: {  	s5 =	sor.u32 $0x1C0E, s5;
	s22 =	rddreg [dreg:$0x15];
	s21 =	sshrl.u32 s25, $0x3  }
0x197: {  	[hbm:s22], [sflag:s5] =	dma.local [spmem:s21], $0x2800  }
0x198: {  	_ =	swait.ge [sflag:s13], $0x2800  }
0x199: {  	s24 =	sld [smem:$0x7FC];
	_ =	sdelay $0x1  }
0x19a: {  	s30 =	simm.s32 $0x6400  }
0x19b: {  	s28 =	simm.s32 $0x7;
	s26 =	rddreg [dreg:$0x16];
	s8 =	sadd.s32 $0x1, s24  }
0x19c: {  	s29 =	simm.s32 $0xA;
	s7 =	simm.s32 $0x280;
	p0 =	sne.s32 s8, s26  }
.Ltmp2:
0x19d: {  	s17 =	simm.s32 $0x300;
	s18 =	simm.s32 $0x2400;
	(pc) =	sbr.rel @p0 .LBB2_1-.Ltmp2, $4  }
0x19e: {  	s12 =	simm.s32 $0x400;
	s15 =	simm.s32 $0x100;
	s16 =	simm.s32 $0x380  }
0x19f: {  	s20 =	simm.s32 $0x180;
	s6 =	simm.s32 $0x80;
	s5 =	simm.s32 $0x200  }
0x1a0: {  	s21 =	simm.s32 $0x5;
	s22 =	simm.s32 $0x4400;
	[sflag:s13] =	ssyncset.done $0x0  }
0x1a1: {  	[sflag:s13] =	ssyncadd.s32 $0xFFFFD800;
	s24 =	simm.s32 $0x6;
	s26 =	simm.s32 $0x9  }
0x1a2: {  	_ =	sfence.sel $0x180000  }
0x1a3: {  	[bflag:$0x0] =	sbarrier.arrive $0xFFFF  }
0x1a4: {  	_ =	strace $0x9000004A  }
0x1a5: {  	s0 =	stileid.u32;
	[bflag:$0x2] =	sbarrier.arrive $0xFFFF  }
0x1a6: {  	p0 =	sne.s32 s0, $0x0;
	s0 =	rddreg [dreg:$0x3]  }
0x1a7: {  	s0 =	sadd.s32 @!p0 $0x100000, s0  }
0x1a8: {  	[sflag:s0] =	ssyncadd.tile.s32 @!p0 $0x1;
	_ =	shalt  }
.Lfunc_end2:
_tile_overlayer_lowered:
.L_overlay_start_2:
0x1a9: {  	(tag) =	ssettag $0x2  }
0x1aa: {  	s0 =	rddreg [dreg:$0x0];
	s2 =	stileid.u32  }
0x1ab: {  	s1 =	rddreg [dreg:$0x1];
	p0 =	sne.s32 s2, $0x0  }
0x1ac: {  	s3 =	rddreg [dreg:$0x2];
	[bflag:$0x3] =	sbarrier.arrive $0xFFFF;
	s2 =	simm.s32 @!p0 $0x1C0E  }
0x1ad: {  	[timem:s3], [sflag:s2] =	dma.local @!p0 [hbm:s0], s1  }
0x1ae: {  	s0 =	simm.s32 @!p0 $0xE  }
0x1af: {  	_ =	swait.ge @!p0 [sflag:s0], s1  }
0x1b0: {  	s1 =	ssub.s32 @!p0 $0x0, s1;
	[sflag:s0] =	ssyncset.done @!p0 $0x0  }
0x1b1: {  	[sflag:s0] =	ssyncadd.s32 @!p0 s1  }
0x1b2: {  	[bflag:$0x3] =	sbarrier.arrive $0xFFFF  }
0x1b3: {  	_ =	shalt  }

</sc_bundles>
